<compile_context>
chip_gen: v7x
topology: tpu7x:2x2x1
jax: 0.10.2.dev20260603
libtpu: 0.0.44.dev20260713+nightly
codegen_flags: <defaults>
</compile_context>

<pallas_src>
import functools

import jax
import jax.numpy as jnp
from jax import lax
from jax.experimental import pallas as pl
from jax.experimental.pallas import tpu as pltpu
from jax.experimental.pallas import tpu_sc as plsc

SELECTION_RATIO = 0.2

_NUM_CORES = 2
_NUM_SUBCORES = 16
_PER_W = 16


def _topk_idx_kernel(att_ref, att_t_ref, idx_ref, *, n, p_pad, n_chunk):
    s_row = jnp.mean(att_ref[...], axis=0, keepdims=True)
    s_col = jnp.mean(att_t_ref[...], axis=1, keepdims=True)
    ii = lax.broadcasted_iota(jnp.int32, (n, n_chunk), 0)
    cnt = jnp.zeros((n, 1), jnp.int32)
    for c in range(n // n_chunk):
        sr = lax.slice(s_row, (0, c * n_chunk), (1, (c + 1) * n_chunk))
        jj = lax.broadcasted_iota(jnp.int32, (n, n_chunk), 1) + c * n_chunk
        gt = sr > s_col
        eq = (sr == s_col) & (jj < ii)
        cnt = cnt + jnp.sum((gt | eq).astype(jnp.int32), axis=1, keepdims=True)
    pp = lax.broadcasted_iota(jnp.int32, (n, p_pad), 1)
    i_col = lax.broadcasted_iota(jnp.int32, (n, p_pad), 0)
    contrib = jnp.where(cnt == pp, i_col, 0)
    idx_ref[...] = jnp.sum(contrib, axis=0, keepdims=True)


def _make_gather(l_layers, s_tokens, d, n_active, per_w):
    mesh = plsc.VectorSubcoreMesh(core_axis_name="c", subcore_axis_name="s")
    kpad = n_active * per_w
    out_sds = jax.ShapeDtypeStruct((l_layers, kpad, d), jnp.float32)

    @functools.partial(
        pl.kernel,
        mesh=mesh,
        out_type=[out_sds, out_sds],
        scratch_types=[
            pltpu.VMEM((per_w,), jnp.int32),
            pltpu.VMEM((per_w,), jnp.int32),
            pltpu.VMEM((per_w, d), jnp.float32),
            pltpu.VMEM((per_w, d), jnp.float32),
            pltpu.SemaphoreType.DMA,
            pltpu.SemaphoreType.DMA,
        ],
    )
    def gather(keys_hbm, vals_hbm, idx_hbm, kout_hbm, vout_hbm,
               idx_v, gidx_v, krows_v, vrows_v, semk, semv):
        wid = lax.axis_index("s") * _NUM_CORES + lax.axis_index("c")

        @pl.when(wid < n_active)
        def _():
            base = wid * per_w
            pltpu.sync_copy(idx_hbm.at[pl.ds(base, per_w)], idx_v)
            for l in range(l_layers):
                gidx_v[...] = idx_v[...] + (l * s_tokens + 1)
                ck = pltpu.async_copy(keys_hbm.at[gidx_v], krows_v, semk)
                cv = pltpu.async_copy(vals_hbm.at[gidx_v], vrows_v, semv)
                ck.wait()
                pltpu.sync_copy(krows_v, kout_hbm.at[l, pl.ds(base, per_w)])
                cv.wait()
                pltpu.sync_copy(vrows_v, vout_hbm.at[l, pl.ds(base, per_w)])

    return gather


def _fuse_head_kernel(kx_ref, vx_ref, wf_ref, xc_ref, wh_ref, out_ref,
                      acc_ref, *, k_sel, denom, nsteps):
    l = pl.program_id(0)
    x = kx_ref[0] + vx_ref[0]
    t = jnp.tanh(jnp.dot(x, wf_ref[...], preferred_element_type=jnp.float32))
    mask = lax.broadcasted_iota(jnp.int32, t.shape, 0) < k_sel
    part = jnp.sum(jnp.where(mask, t, 0.0), axis=0, keepdims=True)

    @pl.when(l == 0)
    def _():
        acc_ref[...] = part

    @pl.when(l > 0)
    def _():
        acc_ref[...] = acc_ref[...] + part

    @pl.when(l == nsteps - 1)
    def _():
        fine = acc_ref[...] * (1.0 / denom)
        xf = xc_ref[...] + fine
        out_ref[...] = jnp.dot(xf, wh_ref[...],
                               preferred_element_type=jnp.float32)


def kernel(x_coarse, key_states, value_states, attention_map, W_fuse, W_head):
    l_layers, b, s_tokens, d = key_states.shape
    h = attention_map.shape[1]
    n = s_tokens - 1
    k_sel = max(1, int(n * SELECTION_RATIO))
    num_classes = W_head.shape[1]

    n_active = -(-k_sel // _PER_W)
    kpad = n_active * _PER_W
    p_pad = -(-kpad // 128) * 128

    att = attention_map[0, :, 0, 1:]
    att_t = att.T
    idx = pl.pallas_call(
        functools.partial(_topk_idx_kernel, n=n, p_pad=p_pad, n_chunk=128),
        out_shape=jax.ShapeDtypeStruct((1, p_pad), jnp.int32),
    )(att, att_t)
    idx_flat = idx.reshape(p_pad)

    keys2d = key_states.reshape(l_layers * s_tokens, d)
    vals2d = value_states.reshape(l_layers * s_tokens, d)
    gather = _make_gather(l_layers, s_tokens, d, n_active, _PER_W)
    kx, vx = gather(keys2d, vals2d, idx_flat)

    logits = pl.pallas_call(
        functools.partial(_fuse_head_kernel, k_sel=k_sel,
                          denom=float(l_layers * k_sel), nsteps=l_layers),
        grid=(l_layers,),
        in_specs=[
            pl.BlockSpec((1, kpad, d), lambda l: (l, 0, 0)),
            pl.BlockSpec((1, kpad, d), lambda l: (l, 0, 0)),
            pl.BlockSpec((d, d), lambda l: (0, 0)),
            pl.BlockSpec((b, d), lambda l: (0, 0)),
            pl.BlockSpec((d, num_classes), lambda l: (0, 0)),
        ],
        out_specs=pl.BlockSpec((b, num_classes), lambda l: (0, 0)),
        scratch_shapes=[pltpu.VMEM((1, d), jnp.float32)],
        out_shape=jax.ShapeDtypeStruct((b, num_classes), jnp.float32),
    )(kx, vx, W_fuse, x_coarse, W_head)
    return logits

# --- scband reference (transcript-rebuilt; emitter-appended) ---
"""Pipeline reference for scband-fine-grained-prompt-tuning-11957188952492 (READ-ONLY COPY).

The authoritative reference and input builder live on the scoring server;
editing this copy changes nothing except your own understanding.
"""

import jax, jax.numpy as jnp
import numpy as np

SELECTION_RATIO = 0.2
L, B, S, D = 12, 1, 2049, 768
H = 12
NUM_CLASSES = 1000


def setup_inputs(seed: int = 0) -> dict:
    key = jax.random.key(seed)
    k1, k2, k3, k4, k5, k6 = jax.random.split(key, 6)
    x_coarse = jax.random.normal(k1, (B, D), dtype=jnp.float32)
    key_states = jax.random.normal(k2, (L, B, S, D), dtype=jnp.float32)
    value_states = jax.random.normal(k3, (L, B, S, D), dtype=jnp.float32)
    attention_map = jax.random.uniform(k4, (B, H, S, S), dtype=jnp.float32)
    # learned parameters: fusion projection + side-encoder classification head
    W_fuse = jax.random.normal(k5, (D, D), dtype=jnp.float32) * 0.02
    W_head = jax.random.normal(k6, (D, NUM_CLASSES), dtype=jnp.float32) * 0.02
    return {"x_coarse": x_coarse, "key_states": key_states, "value_states": value_states,
            "attention_map": attention_map, "W_fuse": W_fuse, "W_head": W_head}


def reference(x_coarse, key_states, value_states, attention_map, W_fuse, W_head):
    # --- token_selection ---
    # cls_attention: attention from CLS token to all spatial tokens, last layer map
    cls_attention = attention_map[:, :, 0, 1:]           # [B, H, N]
    token_scores = cls_attention.mean(axis=1)            # [B, N]
    N = token_scores.shape[1]
    K = max(1, int(N * SELECTION_RATIO))
    _, topk_indices = jax.lax.top_k(token_scores, K)     # [B, K]
    key_sp = key_states[:, :, 1:, :]                     # [L, B, N, D]
    val_sp = value_states[:, :, 1:, :]
    Ld, Bd, _, Dd = key_sp.shape
    gather_idx = jnp.broadcast_to(topk_indices.reshape(1, Bd, K, 1), (Ld, Bd, K, Dd))
    selected_keys = jnp.take_along_axis(key_sp, gather_idx, axis=2)    # [L, B, K, D]
    selected_values = jnp.take_along_axis(val_sp, gather_idx, axis=2)  # [L, B, K, D]
    # --- fusion_module (stub: additive fusion + projection) ---
    fused = jnp.tanh((selected_keys + selected_values) @ W_fuse)       # [L, B, K, D]
    fine_grained = fused.mean(axis=(0, 2))                             # [B, D]
    # --- side_encoder (stub: combine coarse features with fine-grained states, classify) ---
    logits = (x_coarse + fine_grained) @ W_head                        # [B, NUM_CLASSES]
    return logits

if __name__ == "__main__":
    import jax
    _d = setup_inputs()
    print(jax.jit(kernel)(*tuple(_d.values())))

</pallas_src>

<mosaic_0001>
#map = affine_map<(d0, d1) -> (0, 0)>
#map1 = affine_map<(d0, d1) -> (0)>
#map2 = affine_map<(d0, d1) -> (0, 0, 0)>
module attributes {stable_mosaic.version = 14 : i64} {
  func.func @gather(%arg0: i32, %arg1: i32, %arg2: memref<24588x768xf32, #tpu.memory_space<hbm>>, %arg3: memref<24588x768xf32, #tpu.memory_space<hbm>>, %arg4: memref<512xi32, #tpu.memory_space<hbm>>, %arg5: memref<12x416x768xf32, #tpu.memory_space<hbm>>, %arg6: memref<12x416x768xf32, #tpu.memory_space<hbm>>, %arg7: memref<16xi32, #tpu.memory_space<vmem>>, %arg8: memref<16xi32, #tpu.memory_space<vmem>>, %arg9: memref<16x768xf32, #tpu.memory_space<vmem>>, %arg10: memref<16x768xf32, #tpu.memory_space<vmem>>, %arg11: memref<!tpu.dma_semaphore, #tpu.memory_space<semaphore_mem>>, %arg12: memref<!tpu.dma_semaphore, #tpu.memory_space<semaphore_mem>>) attributes {dimension_semantics = [#tpu.dimension_semantics<core_parallel>, #tpu.dimension_semantics<subcore_parallel>], iteration_bounds = array<i64: 2, 16>, scalar_prefetch = 0 : i64, scratch_operands = 6 : i64, tpu.core_type = #tpu.core_type<sc_vector_subcore>, window_params = [{transform_indices = #map}, {transform_indices = #map}, {transform_indices = #map1}, {transform_indices = #map2}, {transform_indices = #map2}]} {
    %mul3A = arith.constant 2 : i32
    %mul3A_0 = arith.muli %arg1, %mul3A : i32
    %add3A = arith.addi %mul3A_0, %arg0 : i32
    %lt3A = arith.constant 26 : i32
    %lt3A_1 = arith.cmpi slt, %add3A, %lt3A : i32
    %convert_element_type3A = arith.extui %lt3A_1 : i1 to i32
    %cond3A = arith.constant 0 : i32
    %cond3A_2 = arith.cmpi ne, %convert_element_type3A, %cond3A : i32
    scf.if %cond3A_2 {
      %mul3A_3 = arith.constant 16 : i32
      %mul3A_4 = arith.muli %add3A, %mul3A_3 : i32
      "tpu.region"() ({
        %run_scoped3A_288 = tpu.sem_alloc : memref<!tpu.dma_semaphore, #tpu.memory_space<semaphore_mem>>
        %dma_start3A_289 = tpu.memref_slice %arg4[%mul3A_4] : memref<512xi32, #tpu.memory_space<hbm>> -> memref<16xi32, #tpu.memory_space<hbm>>
        %dma_start3A_290 = tpu.memref_slice %arg4[%mul3A_4] : memref<512xi32, #tpu.memory_space<hbm>> -> memref<16xi32, #tpu.memory_space<hbm>>
        tpu.enqueue_dma source(%dma_start3A_290 : memref<16xi32, #tpu.memory_space<hbm>>) target(%arg7 : memref<16xi32, #tpu.memory_space<vmem>>) target_semaphore(%run_scoped3A_288 : memref<!tpu.dma_semaphore, #tpu.memory_space<semaphore_mem>>)
        %dma_wait3A_291 = tpu.memref_slice %arg4[%mul3A_4] : memref<512xi32, #tpu.memory_space<hbm>> -> memref<16xi32, #tpu.memory_space<hbm>>
        %dma_wait3A_292 = tpu.memref_slice %arg4[%mul3A_4] : memref<512xi32, #tpu.memory_space<hbm>> -> memref<16xi32, #tpu.memory_space<hbm>>
        tpu.wait_dma2 semaphore(%run_scoped3A_288 : memref<!tpu.dma_semaphore, #tpu.memory_space<semaphore_mem>>) src(%dma_wait3A_292 : memref<16xi32, #tpu.memory_space<hbm>>) dst(%arg7 : memref<16xi32, #tpu.memory_space<vmem>>)
        tpu.yield
      }) : () -> ()
      %get3A = arith.constant 0 : index
      %get3A_5 = tpu.vector_load %arg7[%get3A] {strides = array<i32>} : memref<16xi32, #tpu.memory_space<vmem>>, vector<16xi32>,
      %get3A_6 = vector.shape_cast %get3A_5 : vector<16xi32> to vector<16xi32>
      %add3A_7 = arith.constant 1 : i32
      %add3A_8 = vector.broadcast %add3A_7 : i32 to vector<16xi32>
      %add3A_9 = arith.addi %get3A_6, %add3A_8 : vector<16xi32>
      %swap3A = arith.constant 0 : index
      %swap3A_10 = tpu.vector_load %arg8[%swap3A] {strides = array<i32>} : memref<16xi32, #tpu.memory_space<vmem>>, vector<16xi32>,
      %swap3A_11 = vector.shape_cast %swap3A_10 : vector<16xi32> to vector<16xi32>
      %swap3A_12 = vector.shape_cast %add3A_9 : vector<16xi32> to vector<16xi32>
      tpu.vector_store %arg8[%swap3A], %swap3A_12 {strides = array<i32>} : memref<16xi32, #tpu.memory_space<vmem>>, vector<16xi32>,
      %dma_start3A = arith.constant 0 : i32
      %dma_start3A_13 = arith.constant 0 : i32
      %dma_start3A_14 = tpu.memref_slice %arg2[%dma_start3A, %dma_start3A_13] : memref<24588x768xf32, #tpu.memory_space<hbm>> -> memref<24588x768xf32, #tpu.memory_space<hbm>>
      tpu.enqueue_indirect_dma source(%dma_start3A_14 : memref<24588x768xf32, #tpu.memory_space<hbm>>) target(%arg9 : memref<16x768xf32, #tpu.memory_space<vmem>>) offsets(%arg8 : memref<16xi32, #tpu.memory_space<vmem>>) semaphore(%arg11 : memref<!tpu.dma_semaphore, #tpu.memory_space<semaphore_mem>>)
      %dma_start3A_15 = arith.constant 0 : i32
      %dma_start3A_16 = arith.constant 0 : i32
      %dma_start3A_17 = tpu.memref_slice %arg3[%dma_start3A_15, %dma_start3A_16] : memref<24588x768xf32, #tpu.memory_space<hbm>> -> memref<24588x768xf32, #tpu.memory_space<hbm>>
      tpu.enqueue_indirect_dma source(%dma_start3A_17 : memref<24588x768xf32, #tpu.memory_space<hbm>>) target(%arg10 : memref<16x768xf32, #tpu.memory_space<vmem>>) offsets(%arg8 : memref<16xi32, #tpu.memory_space<vmem>>) semaphore(%arg12 : memref<!tpu.dma_semaphore, #tpu.memory_space<semaphore_mem>>)
      %dma_wait3A = arith.constant 0 : i32
      %dma_wait3A_18 = arith.constant 0 : i32
      %dma_wait3A_19 = tpu.memref_slice %arg2[%dma_wait3A, %dma_wait3A_18] : memref<24588x768xf32, #tpu.memory_space<hbm>> -> memref<24588x768xf32, #tpu.memory_space<hbm>>
      tpu.wait_indirect_dma semaphore(%arg11 : memref<!tpu.dma_semaphore, #tpu.memory_space<semaphore_mem>>) src(%dma_wait3A_19 : memref<24588x768xf32, #tpu.memory_space<hbm>>) dst(%arg9 : memref<16x768xf32, #tpu.memory_space<vmem>>)
      %run_scoped3A = arith.constant 0 : i32
      "tpu.region"() ({
        %run_scoped3A_288 = tpu.sem_alloc : memref<!tpu.dma_semaphore, #tpu.memory_space<semaphore_mem>>
        %dma_start3A_289 = arith.constant 0 : i32
        %dma_start3A_290 = tpu.memref_slice %arg5[%run_scoped3A, %mul3A_4, %dma_start3A_289] : memref<12x416x768xf32, #tpu.memory_space<hbm>> -> memref<1x16x768xf32, #tpu.memory_space<hbm>>
        %dma_start3A_291 = tpu.memref_squeeze %dma_start3A_290 : memref<1x16x768xf32, #tpu.memory_space<hbm>> -> memref<16x768xf32, #tpu.memory_space<hbm>>
        %dma_start3A_292 = arith.constant 0 : i32
        %dma_start3A_293 = tpu.memref_slice %arg5[%run_scoped3A, %mul3A_4, %dma_start3A_292] : memref<12x416x768xf32, #tpu.memory_space<hbm>> -> memref<1x16x768xf32, #tpu.memory_space<hbm>>
        %dma_start3A_294 = tpu.memref_squeeze %dma_start3A_293 : memref<1x16x768xf32, #tpu.memory_space<hbm>> -> memref<16x768xf32, #tpu.memory_space<hbm>>
        tpu.enqueue_dma source(%arg9 : memref<16x768xf32, #tpu.memory_space<vmem>>) target(%dma_start3A_294 : memref<16x768xf32, #tpu.memory_space<hbm>>) target_semaphore(%run_scoped3A_288 : memref<!tpu.dma_semaphore, #tpu.memory_space<semaphore_mem>>)
        %dma_wait3A_295 = arith.constant 0 : i32
        %dma_wait3A_296 = tpu.memref_slice %arg5[%run_scoped3A, %mul3A_4, %dma_wait3A_295] : memref<12x416x768xf32, #tpu.memory_space<hbm>> -> memref<1x16x768xf32, #tpu.memory_space<hbm>>
        %dma_wait3A_297 = tpu.memref_squeeze %dma_wait3A_296 : memref<1x16x768xf32, #tpu.memory_space<hbm>> -> memref<16x768xf32, #tpu.memory_space<hbm>>
        %dma_wait3A_298 = arith.constant 0 : i32
        %dma_wait3A_299 = tpu.memref_slice %arg5[%run_scoped3A, %mul3A_4, %dma_wait3A_298] : memref<12x416x768xf32, #tpu.memory_space<hbm>> -> memref<1x16x768xf32, #tpu.memory_space<hbm>>
        %dma_wait3A_300 = tpu.memref_squeeze %dma_wait3A_299 : memref<1x16x768xf32, #tpu.memory_space<hbm>> -> memref<16x768xf32, #tpu.memory_space<hbm>>
        tpu.wait_dma2 semaphore(%run_scoped3A_288 : memref<!tpu.dma_semaphore, #tpu.memory_space<semaphore_mem>>) src(%arg9 : memref<16x768xf32, #tpu.memory_space<vmem>>) dst(%dma_wait3A_300 : memref<16x768xf32, #tpu.memory_space<hbm>>)
        tpu.yield
      }) : () -> ()
      %dma_wait3A_20 = arith.constant 0 : i32
      %dma_wait3A_21 = arith.constant 0 : i32
      %dma_wait3A_22 = tpu.memref_slice %arg3[%dma_wait3A_20, %dma_wait3A_21] : memref<24588x768xf32, #tpu.memory_space<hbm>> -> memref<24588x768xf32, #tpu.memory_space<hbm>>
      tpu.wait_indirect_dma semaphore(%arg12 : memref<!tpu.dma_semaphore, #tpu.memory_space<semaphore_mem>>) src(%dma_wait3A_22 : memref<24588x768xf32, #tpu.memory_space<hbm>>) dst(%arg10 : memref<16x768xf32, #tpu.memory_space<vmem>>)
      %run_scoped3A_23 = arith.constant 0 : i32
      "tpu.region"() ({
        %run_scoped3A_288 = tpu.sem_alloc : memref<!tpu.dma_semaphore, #tpu.memory_space<semaphore_mem>>
        %dma_start3A_289 = arith.constant 0 : i32
        %dma_start3A_290 = tpu.memref_slice %arg6[%run_scoped3A_23, %mul3A_4, %dma_start3A_289] : memref<12x416x768xf32, #tpu.memory_space<hbm>> -> memref<1x16x768xf32, #tpu.memory_space<hbm>>
        %dma_start3A_291 = tpu.memref_squeeze %dma_start3A_290 : memref<1x16x768xf32, #tpu.memory_space<hbm>> -> memref<16x768xf32, #tpu.memory_space<hbm>>
        %dma_start3A_292 = arith.constant 0 : i32
        %dma_start3A_293 = tpu.memref_slice %arg6[%run_scoped3A_23, %mul3A_4, %dma_start3A_292] : memref<12x416x768xf32, #tpu.memory_space<hbm>> -> memref<1x16x768xf32, #tpu.memory_space<hbm>>
        %dma_start3A_294 = tpu.memref_squeeze %dma_start3A_293 : memref<1x16x768xf32, #tpu.memory_space<hbm>> -> memref<16x768xf32, #tpu.memory_space<hbm>>
        tpu.enqueue_dma source(%arg10 : memref<16x768xf32, #tpu.memory_space<vmem>>) target(%dma_start3A_294 : memref<16x768xf32, #tpu.memory_space<hbm>>) target_semaphore(%run_scoped3A_288 : memref<!tpu.dma_semaphore, #tpu.memory_space<semaphore_mem>>)
        %dma_wait3A_295 = arith.constant 0 : i32
        %dma_wait3A_296 = tpu.memref_slice %arg6[%run_scoped3A_23, %mul3A_4, %dma_wait3A_295] : memref<12x416x768xf32, #tpu.memory_space<hbm>> -> memref<1x16x768xf32, #tpu.memory_space<hbm>>
        %dma_wait3A_297 = tpu.memref_squeeze %dma_wait3A_296 : memref<1x16x768xf32, #tpu.memory_space<hbm>> -> memref<16x768xf32, #tpu.memory_space<hbm>>
        %dma_wait3A_298 = arith.constant 0 : i32
        %dma_wait3A_299 = tpu.memref_slice %arg6[%run_scoped3A_23, %mul3A_4, %dma_wait3A_298] : memref<12x416x768xf32, #tpu.memory_space<hbm>> -> memref<1x16x768xf32, #tpu.memory_space<hbm>>
        %dma_wait3A_300 = tpu.memref_squeeze %dma_wait3A_299 : memref<1x16x768xf32, #tpu.memory_space<hbm>> -> memref<16x768xf32, #tpu.memory_space<hbm>>
        tpu.wait_dma2 semaphore(%run_scoped3A_288 : memref<!tpu.dma_semaphore, #tpu.memory_space<semaphore_mem>>) src(%arg10 : memref<16x768xf32, #tpu.memory_space<vmem>>) dst(%dma_wait3A_300 : memref<16x768xf32, #tpu.memory_space<hbm>>)
        tpu.yield
      }) : () -> ()
      %get3A_24 = arith.constant 0 : index
      %get3A_25 = tpu.vector_load %arg7[%get3A_24] {strides = array<i32>} : memref<16xi32, #tpu.memory_space<vmem>>, vector<16xi32>,
      %get3A_26 = vector.shape_cast %get3A_25 : vector<16xi32> to vector<16xi32>
      %add3A_27 = arith.constant 2050 : i32
      %add3A_28 = vector.broadcast %add3A_27 : i32 to vector<16xi32>
      %add3A_29 = arith.addi %get3A_26, %add3A_28 : vector<16xi32>
      %swap3A_30 = arith.constant 0 : index
      %swap3A_31 = tpu.vector_load %arg8[%swap3A_30] {strides = array<i32>} : memref<16xi32, #tpu.memory_space<vmem>>, vector<16xi32>,
      %swap3A_32 = vector.shape_cast %swap3A_31 : vector<16xi32> to vector<16xi32>
      %swap3A_33 = vector.shape_cast %add3A_29 : vector<16xi32> to vector<16xi32>
      tpu.vector_store %arg8[%swap3A_30], %swap3A_33 {strides = array<i32>} : memref<16xi32, #tpu.memory_space<vmem>>, vector<16xi32>,
      %dma_start3A_34 = arith.constant 0 : i32
      %dma_start3A_35 = arith.constant 0 : i32
      %dma_start3A_36 = tpu.memref_slice %arg2[%dma_start3A_34, %dma_start3A_35] : memref<24588x768xf32, #tpu.memory_space<hbm>> -> memref<24588x768xf32, #tpu.memory_space<hbm>>
      tpu.enqueue_indirect_dma source(%dma_start3A_36 : memref<24588x768xf32, #tpu.memory_space<hbm>>) target(%arg9 : memref<16x768xf32, #tpu.memory_space<vmem>>) offsets(%arg8 : memref<16xi32, #tpu.memory_space<vmem>>) semaphore(%arg11 : memref<!tpu.dma_semaphore, #tpu.memory_space<semaphore_mem>>)
      %dma_start3A_37 = arith.constant 0 : i32
      %dma_start3A_38 = arith.constant 0 : i32
      %dma_start3A_39 = tpu.memref_slice %arg3[%dma_start3A_37, %dma_start3A_38] : memref<24588x768xf32, #tpu.memory_space<hbm>> -> memref<24588x768xf32, #tpu.memory_space<hbm>>
      tpu.enqueue_indirect_dma source(%dma_start3A_39 : memref<24588x768xf32, #tpu.memory_space<hbm>>) target(%arg10 : memref<16x768xf32, #tpu.memory_space<vmem>>) offsets(%arg8 : memref<16xi32, #tpu.memory_space<vmem>>) semaphore(%arg12 : memref<!tpu.dma_semaphore, #tpu.memory_space<semaphore_mem>>)
      %dma_wait3A_40 = arith.constant 0 : i32
      %dma_wait3A_41 = arith.constant 0 : i32
      %dma_wait3A_42 = tpu.memref_slice %arg2[%dma_wait3A_40, %dma_wait3A_41] : memref<24588x768xf32, #tpu.memory_space<hbm>> -> memref<24588x768xf32, #tpu.memory_space<hbm>>
      tpu.wait_indirect_dma semaphore(%arg11 : memref<!tpu.dma_semaphore, #tpu.memory_space<semaphore_mem>>) src(%dma_wait3A_42 : memref<24588x768xf32, #tpu.memory_space<hbm>>) dst(%arg9 : memref<16x768xf32, #tpu.memory_space<vmem>>)
      %run_scoped3A_43 = arith.constant 1 : i32
      "tpu.region"() ({
        %run_scoped3A_288 = tpu.sem_alloc : memref<!tpu.dma_semaphore, #tpu.memory_space<semaphore_mem>>
        %dma_start3A_289 = arith.constant 0 : i32
        %dma_start3A_290 = tpu.memref_slice %arg5[%run_scoped3A_43, %mul3A_4, %dma_start3A_289] : memref<12x416x768xf32, #tpu.memory_space<hbm>> -> memref<1x16x768xf32, #tpu.memory_space<hbm>>
        %dma_start3A_291 = tpu.memref_squeeze %dma_start3A_290 : memref<1x16x768xf32, #tpu.memory_space<hbm>> -> memref<16x768xf32, #tpu.memory_space<hbm>>
        %dma_start3A_292 = arith.constant 0 : i32
        %dma_start3A_293 = tpu.memref_slice %arg5[%run_scoped3A_43, %mul3A_4, %dma_start3A_292] : memref<12x416x768xf32, #tpu.memory_space<hbm>> -> memref<1x16x768xf32, #tpu.memory_space<hbm>>
        %dma_start3A_294 = tpu.memref_squeeze %dma_start3A_293 : memref<1x16x768xf32, #tpu.memory_space<hbm>> -> memref<16x768xf32, #tpu.memory_space<hbm>>
        tpu.enqueue_dma source(%arg9 : memref<16x768xf32, #tpu.memory_space<vmem>>) target(%dma_start3A_294 : memref<16x768xf32, #tpu.memory_space<hbm>>) target_semaphore(%run_scoped3A_288 : memref<!tpu.dma_semaphore, #tpu.memory_space<semaphore_mem>>)
        %dma_wait3A_295 = arith.constant 0 : i32
        %dma_wait3A_296 = tpu.memref_slice %arg5[%run_scoped3A_43, %mul3A_4, %dma_wait3A_295] : memref<12x416x768xf32, #tpu.memory_space<hbm>> -> memref<1x16x768xf32, #tpu.memory_space<hbm>>
        %dma_wait3A_297 = tpu.memref_squeeze %dma_wait3A_296 : memref<1x16x768xf32, #tpu.memory_space<hbm>> -> memref<16x768xf32, #tpu.memory_space<hbm>>
        %dma_wait3A_298 = arith.constant 0 : i32
        %dma_wait3A_299 = tpu.memref_slice %arg5[%run_scoped3A_43, %mul3A_4, %dma_wait3A_298] : memref<12x416x768xf32, #tpu.memory_space<hbm>> -> memref<1x16x768xf32, #tpu.memory_space<hbm>>
        %dma_wait3A_300 = tpu.memref_squeeze %dma_wait3A_299 : memref<1x16x768xf32, #tpu.memory_space<hbm>> -> memref<16x768xf32, #tpu.memory_space<hbm>>
        tpu.wait_dma2 semaphore(%run_scoped3A_288 : memref<!tpu.dma_semaphore, #tpu.memory_space<semaphore_mem>>) src(%arg9 : memref<16x768xf32, #tpu.memory_space<vmem>>) dst(%dma_wait3A_300 : memref<16x768xf32, #tpu.memory_space<hbm>>)
        tpu.yield
      }) : () -> ()
      %dma_wait3A_44 = arith.constant 0 : i32
      %dma_wait3A_45 = arith.constant 0 : i32
      %dma_wait3A_46 = tpu.memref_slice %arg3[%dma_wait3A_44, %dma_wait3A_45] : memref<24588x768xf32, #tpu.memory_space<hbm>> -> memref<24588x768xf32, #tpu.memory_space<hbm>>
      tpu.wait_indirect_dma semaphore(%arg12 : memref<!tpu.dma_semaphore, #tpu.memory_space<semaphore_mem>>) src(%dma_wait3A_46 : memref<24588x768xf32, #tpu.memory_space<hbm>>) dst(%arg10 : memref<16x768xf32, #tpu.memory_space<vmem>>)
      %run_scoped3A_47 = arith.constant 1 : i32
      "tpu.region"() ({
        %run_scoped3A_288 = tpu.sem_alloc : memref<!tpu.dma_semaphore, #tpu.memory_space<semaphore_mem>>
        %dma_start3A_289 = arith.constant 0 : i32
        %dma_start3A_290 = tpu.memref_slice %arg6[%run_scoped3A_47, %mul3A_4, %dma_start3A_289] : memref<12x416x768xf32, #tpu.memory_space<hbm>> -> memref<1x16x768xf32, #tpu.memory_space<hbm>>
        %dma_start3A_291 = tpu.memref_squeeze %dma_start3A_290 : memref<1x16x768xf32, #tpu.memory_space<hbm>> -> memref<16x768xf32, #tpu.memory_space<hbm>>
        %dma_start3A_292 = arith.constant 0 : i32
        %dma_start3A_293 = tpu.memref_slice %arg6[%run_scoped3A_47, %mul3A_4, %dma_start3A_292] : memref<12x416x768xf32, #tpu.memory_space<hbm>> -> memref<1x16x768xf32, #tpu.memory_space<hbm>>
        %dma_start3A_294 = tpu.memref_squeeze %dma_start3A_293 : memref<1x16x768xf32, #tpu.memory_space<hbm>> -> memref<16x768xf32, #tpu.memory_space<hbm>>
        tpu.enqueue_dma source(%arg10 : memref<16x768xf32, #tpu.memory_space<vmem>>) target(%dma_start3A_294 : memref<16x768xf32, #tpu.memory_space<hbm>>) target_semaphore(%run_scoped3A_288 : memref<!tpu.dma_semaphore, #tpu.memory_space<semaphore_mem>>)
        %dma_wait3A_295 = arith.constant 0 : i32
        %dma_wait3A_296 = tpu.memref_slice %arg6[%run_scoped3A_47, %mul3A_4, %dma_wait3A_295] : memref<12x416x768xf32, #tpu.memory_space<hbm>> -> memref<1x16x768xf32, #tpu.memory_space<hbm>>
        %dma_wait3A_297 = tpu.memref_squeeze %dma_wait3A_296 : memref<1x16x768xf32, #tpu.memory_space<hbm>> -> memref<16x768xf32, #tpu.memory_space<hbm>>
        %dma_wait3A_298 = arith.constant 0 : i32
        %dma_wait3A_299 = tpu.memref_slice %arg6[%run_scoped3A_47, %mul3A_4, %dma_wait3A_298] : memref<12x416x768xf32, #tpu.memory_space<hbm>> -> memref<1x16x768xf32, #tpu.memory_space<hbm>>
        %dma_wait3A_300 = tpu.memref_squeeze %dma_wait3A_299 : memref<1x16x768xf32, #tpu.memory_space<hbm>> -> memref<16x768xf32, #tpu.memory_space<hbm>>
        tpu.wait_dma2 semaphore(%run_scoped3A_288 : memref<!tpu.dma_semaphore, #tpu.memory_space<semaphore_mem>>) src(%arg10 : memref<16x768xf32, #tpu.memory_space<vmem>>) dst(%dma_wait3A_300 : memref<16x768xf32, #tpu.memory_space<hbm>>)
        tpu.yield
      }) : () -> ()
      %get3A_48 = arith.constant 0 : index
      %get3A_49 = tpu.vector_load %arg7[%get3A_48] {strides = array<i32>} : memref<16xi32, #tpu.memory_space<vmem>>, vector<16xi32>,
      %get3A_50 = vector.shape_cast %get3A_49 : vector<16xi32> to vector<16xi32>
      %add3A_51 = arith.constant 4099 : i32
      %add3A_52 = vector.broadcast %add3A_51 : i32 to vector<16xi32>
      %add3A_53 = arith.addi %get3A_50, %add3A_52 : vector<16xi32>
      %swap3A_54 = arith.constant 0 : index
      %swap3A_55 = tpu.vector_load %arg8[%swap3A_54] {strides = array<i32>} : memref<16xi32, #tpu.memory_space<vmem>>, vector<16xi32>,
      %swap3A_56 = vector.shape_cast %swap3A_55 : vector<16xi32> to vector<16xi32>
      %swap3A_57 = vector.shape_cast %add3A_53 : vector<16xi32> to vector<16xi32>
      tpu.vector_store %arg8[%swap3A_54], %swap3A_57 {strides = array<i32>} : memref<16xi32, #tpu.memory_space<vmem>>, vector<16xi32>,
      %dma_start3A_58 = arith.constant 0 : i32
      %dma_start3A_59 = arith.constant 0 : i32
      %dma_start3A_60 = tpu.memref_slice %arg2[%dma_start3A_58, %dma_start3A_59] : memref<24588x768xf32, #tpu.memory_space<hbm>> -> memref<24588x768xf32, #tpu.memory_space<hbm>>
      tpu.enqueue_indirect_dma source(%dma_start3A_60 : memref<24588x768xf32, #tpu.memory_space<hbm>>) target(%arg9 : memref<16x768xf32, #tpu.memory_space<vmem>>) offsets(%arg8 : memref<16xi32, #tpu.memory_space<vmem>>) semaphore(%arg11 : memref<!tpu.dma_semaphore, #tpu.memory_space<semaphore_mem>>)
      %dma_start3A_61 = arith.constant 0 : i32
      %dma_start3A_62 = arith.constant 0 : i32
      %dma_start3A_63 = tpu.memref_slice %arg3[%dma_start3A_61, %dma_start3A_62] : memref<24588x768xf32, #tpu.memory_space<hbm>> -> memref<24588x768xf32, #tpu.memory_space<hbm>>
      tpu.enqueue_indirect_dma source(%dma_start3A_63 : memref<24588x768xf32, #tpu.memory_space<hbm>>) target(%arg10 : memref<16x768xf32, #tpu.memory_space<vmem>>) offsets(%arg8 : memref<16xi32, #tpu.memory_space<vmem>>) semaphore(%arg12 : memref<!tpu.dma_semaphore, #tpu.memory_space<semaphore_mem>>)
      %dma_wait3A_64 = arith.constant 0 : i32
      %dma_wait3A_65 = arith.constant 0 : i32
      %dma_wait3A_66 = tpu.memref_slice %arg2[%dma_wait3A_64, %dma_wait3A_65] : memref<24588x768xf32, #tpu.memory_space<hbm>> -> memref<24588x768xf32, #tpu.memory_space<hbm>>
      tpu.wait_indirect_dma semaphore(%arg11 : memref<!tpu.dma_semaphore, #tpu.memory_space<semaphore_mem>>) src(%dma_wait3A_66 : memref<24588x768xf32, #tpu.memory_space<hbm>>) dst(%arg9 : memref<16x768xf32, #tpu.memory_space<vmem>>)
      %run_scoped3A_67 = arith.constant 2 : i32
      "tpu.region"() ({
        %run_scoped3A_288 = tpu.sem_alloc : memref<!tpu.dma_semaphore, #tpu.memory_space<semaphore_mem>>
        %dma_start3A_289 = arith.constant 0 : i32
        %dma_start3A_290 = tpu.memref_slice %arg5[%run_scoped3A_67, %mul3A_4, %dma_start3A_289] : memref<12x416x768xf32, #tpu.memory_space<hbm>> -> memref<1x16x768xf32, #tpu.memory_space<hbm>>
        %dma_start3A_291 = tpu.memref_squeeze %dma_start3A_290 : memref<1x16x768xf32, #tpu.memory_space<hbm>> -> memref<16x768xf32, #tpu.memory_space<hbm>>
        %dma_start3A_292 = arith.constant 0 : i32
        %dma_start3A_293 = tpu.memref_slice %arg5[%run_scoped3A_67, %mul3A_4, %dma_start3A_292] : memref<12x416x768xf32, #tpu.memory_space<hbm>> -> memref<1x16x768xf32, #tpu.memory_space<hbm>>
        %dma_start3A_294 = tpu.memref_squeeze %dma_start3A_293 : memref<1x16x768xf32, #tpu.memory_space<hbm>> -> memref<16x768xf32, #tpu.memory_space<hbm>>
        tpu.enqueue_dma source(%arg9 : memref<16x768xf32, #tpu.memory_space<vmem>>) target(%dma_start3A_294 : memref<16x768xf32, #tpu.memory_space<hbm>>) target_semaphore(%run_scoped3A_288 : memref<!tpu.dma_semaphore, #tpu.memory_space<semaphore_mem>>)
        %dma_wait3A_295 = arith.constant 0 : i32
        %dma_wait3A_296 = tpu.memref_slice %arg5[%run_scoped3A_67, %mul3A_4, %dma_wait3A_295] : memref<12x416x768xf32, #tpu.memory_space<hbm>> -> memref<1x16x768xf32, #tpu.memory_space<hbm>>
        %dma_wait3A_297 = tpu.memref_squeeze %dma_wait3A_296 : memref<1x16x768xf32, #tpu.memory_space<hbm>> -> memref<16x768xf32, #tpu.memory_space<hbm>>
        %dma_wait3A_298 = arith.constant 0 : i32
        %dma_wait3A_299 = tpu.memref_slice %arg5[%run_scoped3A_67, %mul3A_4, %dma_wait3A_298] : memref<12x416x768xf32, #tpu.memory_space<hbm>> -> memref<1x16x768xf32, #tpu.memory_space<hbm>>
        %dma_wait3A_300 = tpu.memref_squeeze %dma_wait3A_299 : memref<1x16x768xf32, #tpu.memory_space<hbm>> -> memref<16x768xf32, #tpu.memory_space<hbm>>
        tpu.wait_dma2 semaphore(%run_scoped3A_288 : memref<!tpu.dma_semaphore, #tpu.memory_space<semaphore_mem>>) src(%arg9 : memref<16x768xf32, #tpu.memory_space<vmem>>) dst(%dma_wait3A_300 : memref<16x768xf32, #tpu.memory_space<hbm>>)
        tpu.yield
      }) : () -> ()
      %dma_wait3A_68 = arith.constant 0 : i32
      %dma_wait3A_69 = arith.constant 0 : i32
      %dma_wait3A_70 = tpu.memref_slice %arg3[%dma_wait3A_68, %dma_wait3A_69] : memref<24588x768xf32, #tpu.memory_space<hbm>> -> memref<24588x768xf32, #tpu.memory_space<hbm>>
      tpu.wait_indirect_dma semaphore(%arg12 : memref<!tpu.dma_semaphore, #tpu.memory_space<semaphore_mem>>) src(%dma_wait3A_70 : memref<24588x768xf32, #tpu.memory_space<hbm>>) dst(%arg10 : memref<16x768xf32, #tpu.memory_space<vmem>>)
      %run_scoped3A_71 = arith.constant 2 : i32
      "tpu.region"() ({
        %run_scoped3A_288 = tpu.sem_alloc : memref<!tpu.dma_semaphore, #tpu.memory_space<semaphore_mem>>
        %dma_start3A_289 = arith.constant 0 : i32
        %dma_start3A_290 = tpu.memref_slice %arg6[%run_scoped3A_71, %mul3A_4, %dma_start3A_289] : memref<12x416x768xf32, #tpu.memory_space<hbm>> -> memref<1x16x768xf32, #tpu.memory_space<hbm>>
        %dma_start3A_291 = tpu.memref_squeeze %dma_start3A_290 : memref<1x16x768xf32, #tpu.memory_space<hbm>> -> memref<16x768xf32, #tpu.memory_space<hbm>>
        %dma_start3A_292 = arith.constant 0 : i32
        %dma_start3A_293 = tpu.memref_slice %arg6[%run_scoped3A_71, %mul3A_4, %dma_start3A_292] : memref<12x416x768xf32, #tpu.memory_space<hbm>> -> memref<1x16x768xf32, #tpu.memory_space<hbm>>
        %dma_start3A_294 = tpu.memref_squeeze %dma_start3A_293 : memref<1x16x768xf32, #tpu.memory_space<hbm>> -> memref<16x768xf32, #tpu.memory_space<hbm>>
        tpu.enqueue_dma source(%arg10 : memref<16x768xf32, #tpu.memory_space<vmem>>) target(%dma_start3A_294 : memref<16x768xf32, #tpu.memory_space<hbm>>) target_semaphore(%run_scoped3A_288 : memref<!tpu.dma_semaphore, #tpu.memory_space<semaphore_mem>>)
        %dma_wait3A_295 = arith.constant 0 : i32
        %dma_wait3A_296 = tpu.memref_slice %arg6[%run_scoped3A_71, %mul3A_4, %dma_wait3A_295] : memref<12x416x768xf32, #tpu.memory_space<hbm>> -> memref<1x16x768xf32, #tpu.memory_space<hbm>>
        %dma_wait3A_297 = tpu.memref_squeeze %dma_wait3A_296 : memref<1x16x768xf32, #tpu.memory_space<hbm>> -> memref<16x768xf32, #tpu.memory_space<hbm>>
        %dma_wait3A_298 = arith.constant 0 : i32
        %dma_wait3A_299 = tpu.memref_slice %arg6[%run_scoped3A_71, %mul3A_4, %dma_wait3A_298] : memref<12x416x768xf32, #tpu.memory_space<hbm>> -> memref<1x16x768xf32, #tpu.memory_space<hbm>>
        %dma_wait3A_300 = tpu.memref_squeeze %dma_wait3A_299 : memref<1x16x768xf32, #tpu.memory_space<hbm>> -> memref<16x768xf32, #tpu.memory_space<hbm>>
        tpu.wait_dma2 semaphore(%run_scoped3A_288 : memref<!tpu.dma_semaphore, #tpu.memory_space<semaphore_mem>>) src(%arg10 : memref<16x768xf32, #tpu.memory_space<vmem>>) dst(%dma_wait3A_300 : memref<16x768xf32, #tpu.memory_space<hbm>>)
        tpu.yield
      }) : () -> ()
      %get3A_72 = arith.constant 0 : index
      %get3A_73 = tpu.vector_load %arg7[%get3A_72] {strides = array<i32>} : memref<16xi32, #tpu.memory_space<vmem>>, vector<16xi32>,
      %get3A_74 = vector.shape_cast %get3A_73 : vector<16xi32> to vector<16xi32>
      %add3A_75 = arith.constant 6148 : i32
      %add3A_76 = vector.broadcast %add3A_75 : i32 to vector<16xi32>
      %add3A_77 = arith.addi %get3A_74, %add3A_76 : vector<16xi32>
      %swap3A_78 = arith.constant 0 : index
      %swap3A_79 = tpu.vector_load %arg8[%swap3A_78] {strides = array<i32>} : memref<16xi32, #tpu.memory_space<vmem>>, vector<16xi32>,
      %swap3A_80 = vector.shape_cast %swap3A_79 : vector<16xi32> to vector<16xi32>
      %swap3A_81 = vector.shape_cast %add3A_77 : vector<16xi32> to vector<16xi32>
      tpu.vector_store %arg8[%swap3A_78], %swap3A_81 {strides = array<i32>} : memref<16xi32, #tpu.memory_space<vmem>>, vector<16xi32>,
      %dma_start3A_82 = arith.constant 0 : i32
      %dma_start3A_83 = arith.constant 0 : i32
      %dma_start3A_84 = tpu.memref_slice %arg2[%dma_start3A_82, %dma_start3A_83] : memref<24588x768xf32, #tpu.memory_space<hbm>> -> memref<24588x768xf32, #tpu.memory_space<hbm>>
      tpu.enqueue_indirect_dma source(%dma_start3A_84 : memref<24588x768xf32, #tpu.memory_space<hbm>>) target(%arg9 : memref<16x768xf32, #tpu.memory_space<vmem>>) offsets(%arg8 : memref<16xi32, #tpu.memory_space<vmem>>) semaphore(%arg11 : memref<!tpu.dma_semaphore, #tpu.memory_space<semaphore_mem>>)
      %dma_start3A_85 = arith.constant 0 : i32
      %dma_start3A_86 = arith.constant 0 : i32
      %dma_start3A_87 = tpu.memref_slice %arg3[%dma_start3A_85, %dma_start3A_86] : memref<24588x768xf32, #tpu.memory_space<hbm>> -> memref<24588x768xf32, #tpu.memory_space<hbm>>
      tpu.enqueue_indirect_dma source(%dma_start3A_87 : memref<24588x768xf32, #tpu.memory_space<hbm>>) target(%arg10 : memref<16x768xf32, #tpu.memory_space<vmem>>) offsets(%arg8 : memref<16xi32, #tpu.memory_space<vmem>>) semaphore(%arg12 : memref<!tpu.dma_semaphore, #tpu.memory_space<semaphore_mem>>)
      %dma_wait3A_88 = arith.constant 0 : i32
      %dma_wait3A_89 = arith.constant 0 : i32
      %dma_wait3A_90 = tpu.memref_slice %arg2[%dma_wait3A_88, %dma_wait3A_89] : memref<24588x768xf32, #tpu.memory_space<hbm>> -> memref<24588x768xf32, #tpu.memory_space<hbm>>
      tpu.wait_indirect_dma semaphore(%arg11 : memref<!tpu.dma_semaphore, #tpu.memory_space<semaphore_mem>>) src(%dma_wait3A_90 : memref<24588x768xf32, #tpu.memory_space<hbm>>) dst(%arg9 : memref<16x768xf32, #tpu.memory_space<vmem>>)
      %run_scoped3A_91 = arith.constant 3 : i32
      "tpu.region"() ({
        %run_scoped3A_288 = tpu.sem_alloc : memref<!tpu.dma_semaphore, #tpu.memory_space<semaphore_mem>>
        %dma_start3A_289 = arith.constant 0 : i32
        %dma_start3A_290 = tpu.memref_slice %arg5[%run_scoped3A_91, %mul3A_4, %dma_start3A_289] : memref<12x416x768xf32, #tpu.memory_space<hbm>> -> memref<1x16x768xf32, #tpu.memory_space<hbm>>
        %dma_start3A_291 = tpu.memref_squeeze %dma_start3A_290 : memref<1x16x768xf32, #tpu.memory_space<hbm>> -> memref<16x768xf32, #tpu.memory_space<hbm>>
        %dma_start3A_292 = arith.constant 0 : i32
        %dma_start3A_293 = tpu.memref_slice %arg5[%run_scoped3A_91, %mul3A_4, %dma_start3A_292] : memref<12x416x768xf32, #tpu.memory_space<hbm>> -> memref<1x16x768xf32, #tpu.memory_space<hbm>>
        %dma_start3A_294 = tpu.memref_squeeze %dma_start3A_293 : memref<1x16x768xf32, #tpu.memory_space<hbm>> -> memref<16x768xf32, #tpu.memory_space<hbm>>
        tpu.enqueue_dma source(%arg9 : memref<16x768xf32, #tpu.memory_space<vmem>>) target(%dma_start3A_294 : memref<16x768xf32, #tpu.memory_space<hbm>>) target_semaphore(%run_scoped3A_288 : memref<!tpu.dma_semaphore, #tpu.memory_space<semaphore_mem>>)
        %dma_wait3A_295 = arith.constant 0 : i32
        %dma_wait3A_296 = tpu.memref_slice %arg5[%run_scoped3A_91, %mul3A_4, %dma_wait3A_295] : memref<12x416x768xf32, #tpu.memory_space<hbm>> -> memref<1x16x768xf32, #tpu.memory_space<hbm>>
        %dma_wait3A_297 = tpu.memref_squeeze %dma_wait3A_296 : memref<1x16x768xf32, #tpu.memory_space<hbm>> -> memref<16x768xf32, #tpu.memory_space<hbm>>
        %dma_wait3A_298 = arith.constant 0 : i32
        %dma_wait3A_299 = tpu.memref_slice %arg5[%run_scoped3A_91, %mul3A_4, %dma_wait3A_298] : memref<12x416x768xf32, #tpu.memory_space<hbm>> -> memref<1x16x768xf32, #tpu.memory_space<hbm>>
        %dma_wait3A_300 = tpu.memref_squeeze %dma_wait3A_299 : memref<1x16x768xf32, #tpu.memory_space<hbm>> -> memref<16x768xf32, #tpu.memory_space<hbm>>
        tpu.wait_dma2 semaphore(%run_scoped3A_288 : memref<!tpu.dma_semaphore, #tpu.memory_space<semaphore_mem>>) src(%arg9 : memref<16x768xf32, #tpu.memory_space<vmem>>) dst(%dma_wait3A_300 : memref<16x768xf32, #tpu.memory_space<hbm>>)
        tpu.yield
      }) : () -> ()
      %dma_wait3A_92 = arith.constant 0 : i32
      %dma_wait3A_93 = arith.constant 0 : i32
      %dma_wait3A_94 = tpu.memref_slice %arg3[%dma_wait3A_92, %dma_wait3A_93] : memref<24588x768xf32, #tpu.memory_space<hbm>> -> memref<24588x768xf32, #tpu.memory_space<hbm>>
      tpu.wait_indirect_dma semaphore(%arg12 : memref<!tpu.dma_semaphore, #tpu.memory_space<semaphore_mem>>) src(%dma_wait3A_94 : memref<24588x768xf32, #tpu.memory_space<hbm>>) dst(%arg10 : memref<16x768xf32, #tpu.memory_space<vmem>>)
      %run_scoped3A_95 = arith.constant 3 : i32
      "tpu.region"() ({
        %run_scoped3A_288 = tpu.sem_alloc : memref<!tpu.dma_semaphore, #tpu.memory_space<semaphore_mem>>
        %dma_start3A_289 = arith.constant 0 : i32
        %dma_start3A_290 = tpu.memref_slice %arg6[%run_scoped3A_95, %mul3A_4, %dma_start3A_289] : memref<12x416x768xf32, #tpu.memory_space<hbm>> -> memref<1x16x768xf32, #tpu.memory_space<hbm>>
        %dma_start3A_291 = tpu.memref_squeeze %dma_start3A_290 : memref<1x16x768xf32, #tpu.memory_space<hbm>> -> memref<16x768xf32, #tpu.memory_space<hbm>>
        %dma_start3A_292 = arith.constant 0 : i32
        %dma_start3A_293 = tpu.memref_slice %arg6[%run_scoped3A_95, %mul3A_4, %dma_start3A_292] : memref<12x416x768xf32, #tpu.memory_space<hbm>> -> memref<1x16x768xf32, #tpu.memory_space<hbm>>
        %dma_start3A_294 = tpu.memref_squeeze %dma_start3A_293 : memref<1x16x768xf32, #tpu.memory_space<hbm>> -> memref<16x768xf32, #tpu.memory_space<hbm>>
        tpu.enqueue_dma source(%arg10 : memref<16x768xf32, #tpu.memory_space<vmem>>) target(%dma_start3A_294 : memref<16x768xf32, #tpu.memory_space<hbm>>) target_semaphore(%run_scoped3A_288 : memref<!tpu.dma_semaphore, #tpu.memory_space<semaphore_mem>>)
        %dma_wait3A_295 = arith.constant 0 : i32
        %dma_wait3A_296 = tpu.memref_slice %arg6[%run_scoped3A_95, %mul3A_4, %dma_wait3A_295] : memref<12x416x768xf32, #tpu.memory_space<hbm>> -> memref<1x16x768xf32, #tpu.memory_space<hbm>>
        %dma_wait3A_297 = tpu.memref_squeeze %dma_wait3A_296 : memref<1x16x768xf32, #tpu.memory_space<hbm>> -> memref<16x768xf32, #tpu.memory_space<hbm>>
        %dma_wait3A_298 = arith.constant 0 : i32
        %dma_wait3A_299 = tpu.memref_slice %arg6[%run_scoped3A_95, %mul3A_4, %dma_wait3A_298] : memref<12x416x768xf32, #tpu.memory_space<hbm>> -> memref<1x16x768xf32, #tpu.memory_space<hbm>>
        %dma_wait3A_300 = tpu.memref_squeeze %dma_wait3A_299 : memref<1x16x768xf32, #tpu.memory_space<hbm>> -> memref<16x768xf32, #tpu.memory_space<hbm>>
        tpu.wait_dma2 semaphore(%run_scoped3A_288 : memref<!tpu.dma_semaphore, #tpu.memory_space<semaphore_mem>>) src(%arg10 : memref<16x768xf32, #tpu.memory_space<vmem>>) dst(%dma_wait3A_300 : memref<16x768xf32, #tpu.memory_space<hbm>>)
        tpu.yield
      }) : () -> ()
      %get3A_96 = arith.constant 0 : index
      %get3A_97 = tpu.vector_load %arg7[%get3A_96] {strides = array<i32>} : memref<16xi32, #tpu.memory_space<vmem>>, vector<16xi32>,
      %get3A_98 = vector.shape_cast %get3A_97 : vector<16xi32> to vector<16xi32>
      %add3A_99 = arith.constant 8197 : i32
      %add3A_100 = vector.broadcast %add3A_99 : i32 to vector<16xi32>
      %add3A_101 = arith.addi %get3A_98, %add3A_100 : vector<16xi32>
      %swap3A_102 = arith.constant 0 : index
      %swap3A_103 = tpu.vector_load %arg8[%swap3A_102] {strides = array<i32>} : memref<16xi32, #tpu.memory_space<vmem>>, vector<16xi32>,
      %swap3A_104 = vector.shape_cast %swap3A_103 : vector<16xi32> to vector<16xi32>
      %swap3A_105 = vector.shape_cast %add3A_101 : vector<16xi32> to vector<16xi32>
      tpu.vector_store %arg8[%swap3A_102], %swap3A_105 {strides = array<i32>} : memref<16xi32, #tpu.memory_space<vmem>>, vector<16xi32>,
      %dma_start3A_106 = arith.constant 0 : i32
      %dma_start3A_107 = arith.constant 0 : i32
      %dma_start3A_108 = tpu.memref_slice %arg2[%dma_start3A_106, %dma_start3A_107] : memref<24588x768xf32, #tpu.memory_space<hbm>> -> memref<24588x768xf32, #tpu.memory_space<hbm>>
      tpu.enqueue_indirect_dma source(%dma_start3A_108 : memref<24588x768xf32, #tpu.memory_space<hbm>>) target(%arg9 : memref<16x768xf32, #tpu.memory_space<vmem>>) offsets(%arg8 : memref<16xi32, #tpu.memory_space<vmem>>) semaphore(%arg11 : memref<!tpu.dma_semaphore, #tpu.memory_space<semaphore_mem>>)
      %dma_start3A_109 = arith.constant 0 : i32
      %dma_start3A_110 = arith.constant 0 : i32
      %dma_start3A_111 = tpu.memref_slice %arg3[%dma_start3A_109, %dma_start3A_110] : memref<24588x768xf32, #tpu.memory_space<hbm>> -> memref<24588x768xf32, #tpu.memory_space<hbm>>
      tpu.enqueue_indirect_dma source(%dma_start3A_111 : memref<24588x768xf32, #tpu.memory_space<hbm>>) target(%arg10 : memref<16x768xf32, #tpu.memory_space<vmem>>) offsets(%arg8 : memref<16xi32, #tpu.memory_space<vmem>>) semaphore(%arg12 : memref<!tpu.dma_semaphore, #tpu.memory_space<semaphore_mem>>)
      %dma_wait3A_112 = arith.constant 0 : i32
      %dma_wait3A_113 = arith.constant 0 : i32
      %dma_wait3A_114 = tpu.memref_slice %arg2[%dma_wait3A_112, %dma_wait3A_113] : memref<24588x768xf32, #tpu.memory_space<hbm>> -> memref<24588x768xf32, #tpu.memory_space<hbm>>
      tpu.wait_indirect_dma semaphore(%arg11 : memref<!tpu.dma_semaphore, #tpu.memory_space<semaphore_mem>>) src(%dma_wait3A_114 : memref<24588x768xf32, #tpu.memory_space<hbm>>) dst(%arg9 : memref<16x768xf32, #tpu.memory_space<vmem>>)
      %run_scoped3A_115 = arith.constant 4 : i32
      "tpu.region"() ({
        %run_scoped3A_288 = tpu.sem_alloc : memref<!tpu.dma_semaphore, #tpu.memory_space<semaphore_mem>>
        %dma_start3A_289 = arith.constant 0 : i32
        %dma_start3A_290 = tpu.memref_slice %arg5[%run_scoped3A_115, %mul3A_4, %dma_start3A_289] : memref<12x416x768xf32, #tpu.memory_space<hbm>> -> memref<1x16x768xf32, #tpu.memory_space<hbm>>
        %dma_start3A_291 = tpu.memref_squeeze %dma_start3A_290 : memref<1x16x768xf32, #tpu.memory_space<hbm>> -> memref<16x768xf32, #tpu.memory_space<hbm>>
        %dma_start3A_292 = arith.constant 0 : i32
        %dma_start3A_293 = tpu.memref_slice %arg5[%run_scoped3A_115, %mul3A_4, %dma_start3A_292] : memref<12x416x768xf32, #tpu.memory_space<hbm>> -> memref<1x16x768xf32, #tpu.memory_space<hbm>>
        %dma_start3A_294 = tpu.memref_squeeze %dma_start3A_293 : memref<1x16x768xf32, #tpu.memory_space<hbm>> -> memref<16x768xf32, #tpu.memory_space<hbm>>
        tpu.enqueue_dma source(%arg9 : memref<16x768xf32, #tpu.memory_space<vmem>>) target(%dma_start3A_294 : memref<16x768xf32, #tpu.memory_space<hbm>>) target_semaphore(%run_scoped3A_288 : memref<!tpu.dma_semaphore, #tpu.memory_space<semaphore_mem>>)
        %dma_wait3A_295 = arith.constant 0 : i32
        %dma_wait3A_296 = tpu.memref_slice %arg5[%run_scoped3A_115, %mul3A_4, %dma_wait3A_295] : memref<12x416x768xf32, #tpu.memory_space<hbm>> -> memref<1x16x768xf32, #tpu.memory_space<hbm>>
        %dma_wait3A_297 = tpu.memref_squeeze %dma_wait3A_296 : memref<1x16x768xf32, #tpu.memory_space<hbm>> -> memref<16x768xf32, #tpu.memory_space<hbm>>
        %dma_wait3A_298 = arith.constant 0 : i32
        %dma_wait3A_299 = tpu.memref_slice %arg5[%run_scoped3A_115, %mul3A_4, %dma_wait3A_298] : memref<12x416x768xf32, #tpu.memory_space<hbm>> -> memref<1x16x768xf32, #tpu.memory_space<hbm>>
        %dma_wait3A_300 = tpu.memref_squeeze %dma_wait3A_299 : memref<1x16x768xf32, #tpu.memory_space<hbm>> -> memref<16x768xf32, #tpu.memory_space<hbm>>
        tpu.wait_dma2 semaphore(%run_scoped3A_288 : memref<!tpu.dma_semaphore, #tpu.memory_space<semaphore_mem>>) src(%arg9 : memref<16x768xf32, #tpu.memory_space<vmem>>) dst(%dma_wait3A_300 : memref<16x768xf32, #tpu.memory_space<hbm>>)
        tpu.yield
      }) : () -> ()
      %dma_wait3A_116 = arith.constant 0 : i32
      %dma_wait3A_117 = arith.constant 0 : i32
      %dma_wait3A_118 = tpu.memref_slice %arg3[%dma_wait3A_116, %dma_wait3A_117] : memref<24588x768xf32, #tpu.memory_space<hbm>> -> memref<24588x768xf32, #tpu.memory_space<hbm>>
      tpu.wait_indirect_dma semaphore(%arg12 : memref<!tpu.dma_semaphore, #tpu.memory_space<semaphore_mem>>) src(%dma_wait3A_118 : memref<24588x768xf32, #tpu.memory_space<hbm>>) dst(%arg10 : memref<16x768xf32, #tpu.memory_space<vmem>>)
      %run_scoped3A_119 = arith.constant 4 : i32
      "tpu.region"() ({
        %run_scoped3A_288 = tpu.sem_alloc : memref<!tpu.dma_semaphore, #tpu.memory_space<semaphore_mem>>
        %dma_start3A_289 = arith.constant 0 : i32
        %dma_start3A_290 = tpu.memref_slice %arg6[%run_scoped3A_119, %mul3A_4, %dma_start3A_289] : memref<12x416x768xf32, #tpu.memory_space<hbm>> -> memref<1x16x768xf32, #tpu.memory_space<hbm>>
        %dma_start3A_291 = tpu.memref_squeeze %dma_start3A_290 : memref<1x16x768xf32, #tpu.memory_space<hbm>> -> memref<16x768xf32, #tpu.memory_space<hbm>>
        %dma_start3A_292 = arith.constant 0 : i32
        %dma_start3A_293 = tpu.memref_slice %arg6[%run_scoped3A_119, %mul3A_4, %dma_start3A_292] : memref<12x416x768xf32, #tpu.memory_space<hbm>> -> memref<1x16x768xf32, #tpu.memory_space<hbm>>
        %dma_start3A_294 = tpu.memref_squeeze %dma_start3A_293 : memref<1x16x768xf32, #tpu.memory_space<hbm>> -> memref<16x768xf32, #tpu.memory_space<hbm>>
        tpu.enqueue_dma source(%arg10 : memref<16x768xf32, #tpu.memory_space<vmem>>) target(%dma_start3A_294 : memref<16x768xf32, #tpu.memory_space<hbm>>) target_semaphore(%run_scoped3A_288 : memref<!tpu.dma_semaphore, #tpu.memory_space<semaphore_mem>>)
        %dma_wait3A_295 = arith.constant 0 : i32
        %dma_wait3A_296 = tpu.memref_slice %arg6[%run_scoped3A_119, %mul3A_4, %dma_wait3A_295] : memref<12x416x768xf32, #tpu.memory_space<hbm>> -> memref<1x16x768xf32, #tpu.memory_space<hbm>>
        %dma_wait3A_297 = tpu.memref_squeeze %dma_wait3A_296 : memref<1x16x768xf32, #tpu.memory_space<hbm>> -> memref<16x768xf32, #tpu.memory_space<hbm>>
        %dma_wait3A_298 = arith.constant 0 : i32
        %dma_wait3A_299 = tpu.memref_slice %arg6[%run_scoped3A_119, %mul3A_4, %dma_wait3A_298] : memref<12x416x768xf32, #tpu.memory_space<hbm>> -> memref<1x16x768xf32, #tpu.memory_space<hbm>>
        %dma_wait3A_300 = tpu.memref_squeeze %dma_wait3A_299 : memref<1x16x768xf32, #tpu.memory_space<hbm>> -> memref<16x768xf32, #tpu.memory_space<hbm>>
        tpu.wait_dma2 semaphore(%run_scoped3A_288 : memref<!tpu.dma_semaphore, #tpu.memory_space<semaphore_mem>>) src(%arg10 : memref<16x768xf32, #tpu.memory_space<vmem>>) dst(%dma_wait3A_300 : memref<16x768xf32, #tpu.memory_space<hbm>>)
        tpu.yield
      }) : () -> ()
      %get3A_120 = arith.constant 0 : index
      %get3A_121 = tpu.vector_load %arg7[%get3A_120] {strides = array<i32>} : memref<16xi32, #tpu.memory_space<vmem>>, vector<16xi32>,
      %get3A_122 = vector.shape_cast %get3A_121 : vector<16xi32> to vector<16xi32>
      %add3A_123 = arith.constant 10246 : i32
      %add3A_124 = vector.broadcast %add3A_123 : i32 to vector<16xi32>
      %add3A_125 = arith.addi %get3A_122, %add3A_124 : vector<16xi32>
      %swap3A_126 = arith.constant 0 : index
      %swap3A_127 = tpu.vector_load %arg8[%swap3A_126] {strides = array<i32>} : memref<16xi32, #tpu.memory_space<vmem>>, vector<16xi32>,
      %swap3A_128 = vector.shape_cast %swap3A_127 : vector<16xi32> to vector<16xi32>
      %swap3A_129 = vector.shape_cast %add3A_125 : vector<16xi32> to vector<16xi32>
      tpu.vector_store %arg8[%swap3A_126], %swap3A_129 {strides = array<i32>} : memref<16xi32, #tpu.memory_space<vmem>>, vector<16xi32>,
      %dma_start3A_130 = arith.constant 0 : i32
      %dma_start3A_131 = arith.constant 0 : i32
      %dma_start3A_132 = tpu.memref_slice %arg2[%dma_start3A_130, %dma_start3A_131] : memref<24588x768xf32, #tpu.memory_space<hbm>> -> memref<24588x768xf32, #tpu.memory_space<hbm>>
      tpu.enqueue_indirect_dma source(%dma_start3A_132 : memref<24588x768xf32, #tpu.memory_space<hbm>>) target(%arg9 : memref<16x768xf32, #tpu.memory_space<vmem>>) offsets(%arg8 : memref<16xi32, #tpu.memory_space<vmem>>) semaphore(%arg11 : memref<!tpu.dma_semaphore, #tpu.memory_space<semaphore_mem>>)
      %dma_start3A_133 = arith.constant 0 : i32
      %dma_start3A_134 = arith.constant 0 : i32
      %dma_start3A_135 = tpu.memref_slice %arg3[%dma_start3A_133, %dma_start3A_134] : memref<24588x768xf32, #tpu.memory_space<hbm>> -> memref<24588x768xf32, #tpu.memory_space<hbm>>
      tpu.enqueue_indirect_dma source(%dma_start3A_135 : memref<24588x768xf32, #tpu.memory_space<hbm>>) target(%arg10 : memref<16x768xf32, #tpu.memory_space<vmem>>) offsets(%arg8 : memref<16xi32, #tpu.memory_space<vmem>>) semaphore(%arg12 : memref<!tpu.dma_semaphore, #tpu.memory_space<semaphore_mem>>)
      %dma_wait3A_136 = arith.constant 0 : i32
      %dma_wait3A_137 = arith.constant 0 : i32
      %dma_wait3A_138 = tpu.memref_slice %arg2[%dma_wait3A_136, %dma_wait3A_137] : memref<24588x768xf32, #tpu.memory_space<hbm>> -> memref<24588x768xf32, #tpu.memory_space<hbm>>
      tpu.wait_indirect_dma semaphore(%arg11 : memref<!tpu.dma_semaphore, #tpu.memory_space<semaphore_mem>>) src(%dma_wait3A_138 : memref<24588x768xf32, #tpu.memory_space<hbm>>) dst(%arg9 : memref<16x768xf32, #tpu.memory_space<vmem>>)
      %run_scoped3A_139 = arith.constant 5 : i32
      "tpu.region"() ({
        %run_scoped3A_288 = tpu.sem_alloc : memref<!tpu.dma_semaphore, #tpu.memory_space<semaphore_mem>>
        %dma_start3A_289 = arith.constant 0 : i32
        %dma_start3A_290 = tpu.memref_slice %arg5[%run_scoped3A_139, %mul3A_4, %dma_start3A_289] : memref<12x416x768xf32, #tpu.memory_space<hbm>> -> memref<1x16x768xf32, #tpu.memory_space<hbm>>
        %dma_start3A_291 = tpu.memref_squeeze %dma_start3A_290 : memref<1x16x768xf32, #tpu.memory_space<hbm>> -> memref<16x768xf32, #tpu.memory_space<hbm>>
        %dma_start3A_292 = arith.constant 0 : i32
        %dma_start3A_293 = tpu.memref_slice %arg5[%run_scoped3A_139, %mul3A_4, %dma_start3A_292] : memref<12x416x768xf32, #tpu.memory_space<hbm>> -> memref<1x16x768xf32, #tpu.memory_space<hbm>>
        %dma_start3A_294 = tpu.memref_squeeze %dma_start3A_293 : memref<1x16x768xf32, #tpu.memory_space<hbm>> -> memref<16x768xf32, #tpu.memory_space<hbm>>
        tpu.enqueue_dma source(%arg9 : memref<16x768xf32, #tpu.memory_space<vmem>>) target(%dma_start3A_294 : memref<16x768xf32, #tpu.memory_space<hbm>>) target_semaphore(%run_scoped3A_288 : memref<!tpu.dma_semaphore, #tpu.memory_space<semaphore_mem>>)
        %dma_wait3A_295 = arith.constant 0 : i32
        %dma_wait3A_296 = tpu.memref_slice %arg5[%run_scoped3A_139, %mul3A_4, %dma_wait3A_295] : memref<12x416x768xf32, #tpu.memory_space<hbm>> -> memref<1x16x768xf32, #tpu.memory_space<hbm>>
        %dma_wait3A_297 = tpu.memref_squeeze %dma_wait3A_296 : memref<1x16x768xf32, #tpu.memory_space<hbm>> -> memref<16x768xf32, #tpu.memory_space<hbm>>
        %dma_wait3A_298 = arith.constant 0 : i32
        %dma_wait3A_299 = tpu.memref_slice %arg5[%run_scoped3A_139, %mul3A_4, %dma_wait3A_298] : memref<12x416x768xf32, #tpu.memory_space<hbm>> -> memref<1x16x768xf32, #tpu.memory_space<hbm>>
        %dma_wait3A_300 = tpu.memref_squeeze %dma_wait3A_299 : memref<1x16x768xf32, #tpu.memory_space<hbm>> -> memref<16x768xf32, #tpu.memory_space<hbm>>
        tpu.wait_dma2 semaphore(%run_scoped3A_288 : memref<!tpu.dma_semaphore, #tpu.memory_space<semaphore_mem>>) src(%arg9 : memref<16x768xf32, #tpu.memory_space<vmem>>) dst(%dma_wait3A_300 : memref<16x768xf32, #tpu.memory_space<hbm>>)
        tpu.yield
      }) : () -> ()
      %dma_wait3A_140 = arith.constant 0 : i32
      %dma_wait3A_141 = arith.constant 0 : i32
      %dma_wait3A_142 = tpu.memref_slice %arg3[%dma_wait3A_140, %dma_wait3A_141] : memref<24588x768xf32, #tpu.memory_space<hbm>> -> memref<24588x768xf32, #tpu.memory_space<hbm>>
      tpu.wait_indirect_dma semaphore(%arg12 : memref<!tpu.dma_semaphore, #tpu.memory_space<semaphore_mem>>) src(%dma_wait3A_142 : memref<24588x768xf32, #tpu.memory_space<hbm>>) dst(%arg10 : memref<16x768xf32, #tpu.memory_space<vmem>>)
      %run_scoped3A_143 = arith.constant 5 : i32
      "tpu.region"() ({
        %run_scoped3A_288 = tpu.sem_alloc : memref<!tpu.dma_semaphore, #tpu.memory_space<semaphore_mem>>
        %dma_start3A_289 = arith.constant 0 : i32
        %dma_start3A_290 = tpu.memref_slice %arg6[%run_scoped3A_143, %mul3A_4, %dma_start3A_289] : memref<12x416x768xf32, #tpu.memory_space<hbm>> -> memref<1x16x768xf32, #tpu.memory_space<hbm>>
        %dma_start3A_291 = tpu.memref_squeeze %dma_start3A_290 : memref<1x16x768xf32, #tpu.memory_space<hbm>> -> memref<16x768xf32, #tpu.memory_space<hbm>>
        %dma_start3A_292 = arith.constant 0 : i32
        %dma_start3A_293 = tpu.memref_slice %arg6[%run_scoped3A_143, %mul3A_4, %dma_start3A_292] : memref<12x416x768xf32, #tpu.memory_space<hbm>> -> memref<1x16x768xf32, #tpu.memory_space<hbm>>
        %dma_start3A_294 = tpu.memref_squeeze %dma_start3A_293 : memref<1x16x768xf32, #tpu.memory_space<hbm>> -> memref<16x768xf32, #tpu.memory_space<hbm>>
        tpu.enqueue_dma source(%arg10 : memref<16x768xf32, #tpu.memory_space<vmem>>) target(%dma_start3A_294 : memref<16x768xf32, #tpu.memory_space<hbm>>) target_semaphore(%run_scoped3A_288 : memref<!tpu.dma_semaphore, #tpu.memory_space<semaphore_mem>>)
        %dma_wait3A_295 = arith.constant 0 : i32
        %dma_wait3A_296 = tpu.memref_slice %arg6[%run_scoped3A_143, %mul3A_4, %dma_wait3A_295] : memref<12x416x768xf32, #tpu.memory_space<hbm>> -> memref<1x16x768xf32, #tpu.memory_space<hbm>>
        %dma_wait3A_297 = tpu.memref_squeeze %dma_wait3A_296 : memref<1x16x768xf32, #tpu.memory_space<hbm>> -> memref<16x768xf32, #tpu.memory_space<hbm>>
        %dma_wait3A_298 = arith.constant 0 : i32
        %dma_wait3A_299 = tpu.memref_slice %arg6[%run_scoped3A_143, %mul3A_4, %dma_wait3A_298] : memref<12x416x768xf32, #tpu.memory_space<hbm>> -> memref<1x16x768xf32, #tpu.memory_space<hbm>>
        %dma_wait3A_300 = tpu.memref_squeeze %dma_wait3A_299 : memref<1x16x768xf32, #tpu.memory_space<hbm>> -> memref<16x768xf32, #tpu.memory_space<hbm>>
        tpu.wait_dma2 semaphore(%run_scoped3A_288 : memref<!tpu.dma_semaphore, #tpu.memory_space<semaphore_mem>>) src(%arg10 : memref<16x768xf32, #tpu.memory_space<vmem>>) dst(%dma_wait3A_300 : memref<16x768xf32, #tpu.memory_space<hbm>>)
        tpu.yield
      }) : () -> ()
      %get3A_144 = arith.constant 0 : index
      %get3A_145 = tpu.vector_load %arg7[%get3A_144] {strides = array<i32>} : memref<16xi32, #tpu.memory_space<vmem>>, vector<16xi32>,
      %get3A_146 = vector.shape_cast %get3A_145 : vector<16xi32> to vector<16xi32>
      %add3A_147 = arith.constant 12295 : i32
      %add3A_148 = vector.broadcast %add3A_147 : i32 to vector<16xi32>
      %add3A_149 = arith.addi %get3A_146, %add3A_148 : vector<16xi32>
      %swap3A_150 = arith.constant 0 : index
      %swap3A_151 = tpu.vector_load %arg8[%swap3A_150] {strides = array<i32>} : memref<16xi32, #tpu.memory_space<vmem>>, vector<16xi32>,
      %swap3A_152 = vector.shape_cast %swap3A_151 : vector<16xi32> to vector<16xi32>
      %swap3A_153 = vector.shape_cast %add3A_149 : vector<16xi32> to vector<16xi32>
      tpu.vector_store %arg8[%swap3A_150], %swap3A_153 {strides = array<i32>} : memref<16xi32, #tpu.memory_space<vmem>>, vector<16xi32>,
      %dma_start3A_154 = arith.constant 0 : i32
      %dma_start3A_155 = arith.constant 0 : i32
      %dma_start3A_156 = tpu.memref_slice %arg2[%dma_start3A_154, %dma_start3A_155] : memref<24588x768xf32, #tpu.memory_space<hbm>> -> memref<24588x768xf32, #tpu.memory_space<hbm>>
      tpu.enqueue_indirect_dma source(%dma_start3A_156 : memref<24588x768xf32, #tpu.memory_space<hbm>>) target(%arg9 : memref<16x768xf32, #tpu.memory_space<vmem>>) offsets(%arg8 : memref<16xi32, #tpu.memory_space<vmem>>) semaphore(%arg11 : memref<!tpu.dma_semaphore, #tpu.memory_space<semaphore_mem>>)
      %dma_start3A_157 = arith.constant 0 : i32
      %dma_start3A_158 = arith.constant 0 : i32
      %dma_start3A_159 = tpu.memref_slice %arg3[%dma_start3A_157, %dma_start3A_158] : memref<24588x768xf32, #tpu.memory_space<hbm>> -> memref<24588x768xf32, #tpu.memory_space<hbm>>
      tpu.enqueue_indirect_dma source(%dma_start3A_159 : memref<24588x768xf32, #tpu.memory_space<hbm>>) target(%arg10 : memref<16x768xf32, #tpu.memory_space<vmem>>) offsets(%arg8 : memref<16xi32, #tpu.memory_space<vmem>>) semaphore(%arg12 : memref<!tpu.dma_semaphore, #tpu.memory_space<semaphore_mem>>)
      %dma_wait3A_160 = arith.constant 0 : i32
      %dma_wait3A_161 = arith.constant 0 : i32
      %dma_wait3A_162 = tpu.memref_slice %arg2[%dma_wait3A_160, %dma_wait3A_161] : memref<24588x768xf32, #tpu.memory_space<hbm>> -> memref<24588x768xf32, #tpu.memory_space<hbm>>
      tpu.wait_indirect_dma semaphore(%arg11 : memref<!tpu.dma_semaphore, #tpu.memory_space<semaphore_mem>>) src(%dma_wait3A_162 : memref<24588x768xf32, #tpu.memory_space<hbm>>) dst(%arg9 : memref<16x768xf32, #tpu.memory_space<vmem>>)
      %run_scoped3A_163 = arith.constant 6 : i32
      "tpu.region"() ({
        %run_scoped3A_288 = tpu.sem_alloc : memref<!tpu.dma_semaphore, #tpu.memory_space<semaphore_mem>>
        %dma_start3A_289 = arith.constant 0 : i32
        %dma_start3A_290 = tpu.memref_slice %arg5[%run_scoped3A_163, %mul3A_4, %dma_start3A_289] : memref<12x416x768xf32, #tpu.memory_space<hbm>> -> memref<1x16x768xf32, #tpu.memory_space<hbm>>
        %dma_start3A_291 = tpu.memref_squeeze %dma_start3A_290 : memref<1x16x768xf32, #tpu.memory_space<hbm>> -> memref<16x768xf32, #tpu.memory_space<hbm>>
        %dma_start3A_292 = arith.constant 0 : i32
        %dma_start3A_293 = tpu.memref_slice %arg5[%run_scoped3A_163, %mul3A_4, %dma_start3A_292] : memref<12x416x768xf32, #tpu.memory_space<hbm>> -> memref<1x16x768xf32, #tpu.memory_space<hbm>>
        %dma_start3A_294 = tpu.memref_squeeze %dma_start3A_293 : memref<1x16x768xf32, #tpu.memory_space<hbm>> -> memref<16x768xf32, #tpu.memory_space<hbm>>
        tpu.enqueue_dma source(%arg9 : memref<16x768xf32, #tpu.memory_space<vmem>>) target(%dma_start3A_294 : memref<16x768xf32, #tpu.memory_space<hbm>>) target_semaphore(%run_scoped3A_288 : memref<!tpu.dma_semaphore, #tpu.memory_space<semaphore_mem>>)
        %dma_wait3A_295 = arith.constant 0 : i32
        %dma_wait3A_296 = tpu.memref_slice %arg5[%run_scoped3A_163, %mul3A_4, %dma_wait3A_295] : memref<12x416x768xf32, #tpu.memory_space<hbm>> -> memref<1x16x768xf32, #tpu.memory_space<hbm>>
        %dma_wait3A_297 = tpu.memref_squeeze %dma_wait3A_296 : memref<1x16x768xf32, #tpu.memory_space<hbm>> -> memref<16x768xf32, #tpu.memory_space<hbm>>
        %dma_wait3A_298 = arith.constant 0 : i32
        %dma_wait3A_299 = tpu.memref_slice %arg5[%run_scoped3A_163, %mul3A_4, %dma_wait3A_298] : memref<12x416x768xf32, #tpu.memory_space<hbm>> -> memref<1x16x768xf32, #tpu.memory_space<hbm>>
        %dma_wait3A_300 = tpu.memref_squeeze %dma_wait3A_299 : memref<1x16x768xf32, #tpu.memory_space<hbm>> -> memref<16x768xf32, #tpu.memory_space<hbm>>
        tpu.wait_dma2 semaphore(%run_scoped3A_288 : memref<!tpu.dma_semaphore, #tpu.memory_space<semaphore_mem>>) src(%arg9 : memref<16x768xf32, #tpu.memory_space<vmem>>) dst(%dma_wait3A_300 : memref<16x768xf32, #tpu.memory_space<hbm>>)
        tpu.yield
      }) : () -> ()
      %dma_wait3A_164 = arith.constant 0 : i32
      %dma_wait3A_165 = arith.constant 0 : i32
      %dma_wait3A_166 = tpu.memref_slice %arg3[%dma_wait3A_164, %dma_wait3A_165] : memref<24588x768xf32, #tpu.memory_space<hbm>> -> memref<24588x768xf32, #tpu.memory_space<hbm>>
      tpu.wait_indirect_dma semaphore(%arg12 : memref<!tpu.dma_semaphore, #tpu.memory_space<semaphore_mem>>) src(%dma_wait3A_166 : memref<24588x768xf32, #tpu.memory_space<hbm>>) dst(%arg10 : memref<16x768xf32, #tpu.memory_space<vmem>>)
      %run_scoped3A_167 = arith.constant 6 : i32
      "tpu.region"() ({
        %run_scoped3A_288 = tpu.sem_alloc : memref<!tpu.dma_semaphore, #tpu.memory_space<semaphore_mem>>
        %dma_start3A_289 = arith.constant 0 : i32
        %dma_start3A_290 = tpu.memref_slice %arg6[%run_scoped3A_167, %mul3A_4, %dma_start3A_289] : memref<12x416x768xf32, #tpu.memory_space<hbm>> -> memref<1x16x768xf32, #tpu.memory_space<hbm>>
        %dma_start3A_291 = tpu.memref_squeeze %dma_start3A_290 : memref<1x16x768xf32, #tpu.memory_space<hbm>> -> memref<16x768xf32, #tpu.memory_space<hbm>>
        %dma_start3A_292 = arith.constant 0 : i32
        %dma_start3A_293 = tpu.memref_slice %arg6[%run_scoped3A_167, %mul3A_4, %dma_start3A_292] : memref<12x416x768xf32, #tpu.memory_space<hbm>> -> memref<1x16x768xf32, #tpu.memory_space<hbm>>
        %dma_start3A_294 = tpu.memref_squeeze %dma_start3A_293 : memref<1x16x768xf32, #tpu.memory_space<hbm>> -> memref<16x768xf32, #tpu.memory_space<hbm>>
        tpu.enqueue_dma source(%arg10 : memref<16x768xf32, #tpu.memory_space<vmem>>) target(%dma_start3A_294 : memref<16x768xf32, #tpu.memory_space<hbm>>) target_semaphore(%run_scoped3A_288 : memref<!tpu.dma_semaphore, #tpu.memory_space<semaphore_mem>>)
        %dma_wait3A_295 = arith.constant 0 : i32
        %dma_wait3A_296 = tpu.memref_slice %arg6[%run_scoped3A_167, %mul3A_4, %dma_wait3A_295] : memref<12x416x768xf32, #tpu.memory_space<hbm>> -> memref<1x16x768xf32, #tpu.memory_space<hbm>>
        %dma_wait3A_297 = tpu.memref_squeeze %dma_wait3A_296 : memref<1x16x768xf32, #tpu.memory_space<hbm>> -> memref<16x768xf32, #tpu.memory_space<hbm>>
        %dma_wait3A_298 = arith.constant 0 : i32
        %dma_wait3A_299 = tpu.memref_slice %arg6[%run_scoped3A_167, %mul3A_4, %dma_wait3A_298] : memref<12x416x768xf32, #tpu.memory_space<hbm>> -> memref<1x16x768xf32, #tpu.memory_space<hbm>>
        %dma_wait3A_300 = tpu.memref_squeeze %dma_wait3A_299 : memref<1x16x768xf32, #tpu.memory_space<hbm>> -> memref<16x768xf32, #tpu.memory_space<hbm>>
        tpu.wait_dma2 semaphore(%run_scoped3A_288 : memref<!tpu.dma_semaphore, #tpu.memory_space<semaphore_mem>>) src(%arg10 : memref<16x768xf32, #tpu.memory_space<vmem>>) dst(%dma_wait3A_300 : memref<16x768xf32, #tpu.memory_space<hbm>>)
        tpu.yield
      }) : () -> ()
      %get3A_168 = arith.constant 0 : index
      %get3A_169 = tpu.vector_load %arg7[%get3A_168] {strides = array<i32>} : memref<16xi32, #tpu.memory_space<vmem>>, vector<16xi32>,
      %get3A_170 = vector.shape_cast %get3A_169 : vector<16xi32> to vector<16xi32>
      %add3A_171 = arith.constant 14344 : i32
      %add3A_172 = vector.broadcast %add3A_171 : i32 to vector<16xi32>
      %add3A_173 = arith.addi %get3A_170, %add3A_172 : vector<16xi32>
      %swap3A_174 = arith.constant 0 : index
      %swap3A_175 = tpu.vector_load %arg8[%swap3A_174] {strides = array<i32>} : memref<16xi32, #tpu.memory_space<vmem>>, vector<16xi32>,
      %swap3A_176 = vector.shape_cast %swap3A_175 : vector<16xi32> to vector<16xi32>
      %swap3A_177 = vector.shape_cast %add3A_173 : vector<16xi32> to vector<16xi32>
      tpu.vector_store %arg8[%swap3A_174], %swap3A_177 {strides = array<i32>} : memref<16xi32, #tpu.memory_space<vmem>>, vector<16xi32>,
      %dma_start3A_178 = arith.constant 0 : i32
      %dma_start3A_179 = arith.constant 0 : i32
      %dma_start3A_180 = tpu.memref_slice %arg2[%dma_start3A_178, %dma_start3A_179] : memref<24588x768xf32, #tpu.memory_space<hbm>> -> memref<24588x768xf32, #tpu.memory_space<hbm>>
      tpu.enqueue_indirect_dma source(%dma_start3A_180 : memref<24588x768xf32, #tpu.memory_space<hbm>>) target(%arg9 : memref<16x768xf32, #tpu.memory_space<vmem>>) offsets(%arg8 : memref<16xi32, #tpu.memory_space<vmem>>) semaphore(%arg11 : memref<!tpu.dma_semaphore, #tpu.memory_space<semaphore_mem>>)
      %dma_start3A_181 = arith.constant 0 : i32
      %dma_start3A_182 = arith.constant 0 : i32
      %dma_start3A_183 = tpu.memref_slice %arg3[%dma_start3A_181, %dma_start3A_182] : memref<24588x768xf32, #tpu.memory_space<hbm>> -> memref<24588x768xf32, #tpu.memory_space<hbm>>
      tpu.enqueue_indirect_dma source(%dma_start3A_183 : memref<24588x768xf32, #tpu.memory_space<hbm>>) target(%arg10 : memref<16x768xf32, #tpu.memory_space<vmem>>) offsets(%arg8 : memref<16xi32, #tpu.memory_space<vmem>>) semaphore(%arg12 : memref<!tpu.dma_semaphore, #tpu.memory_space<semaphore_mem>>)
      %dma_wait3A_184 = arith.constant 0 : i32
      %dma_wait3A_185 = arith.constant 0 : i32
      %dma_wait3A_186 = tpu.memref_slice %arg2[%dma_wait3A_184, %dma_wait3A_185] : memref<24588x768xf32, #tpu.memory_space<hbm>> -> memref<24588x768xf32, #tpu.memory_space<hbm>>
      tpu.wait_indirect_dma semaphore(%arg11 : memref<!tpu.dma_semaphore, #tpu.memory_space<semaphore_mem>>) src(%dma_wait3A_186 : memref<24588x768xf32, #tpu.memory_space<hbm>>) dst(%arg9 : memref<16x768xf32, #tpu.memory_space<vmem>>)
      %run_scoped3A_187 = arith.constant 7 : i32
      "tpu.region"() ({
        %run_scoped3A_288 = tpu.sem_alloc : memref<!tpu.dma_semaphore, #tpu.memory_space<semaphore_mem>>
        %dma_start3A_289 = arith.constant 0 : i32
        %dma_start3A_290 = tpu.memref_slice %arg5[%run_scoped3A_187, %mul3A_4, %dma_start3A_289] : memref<12x416x768xf32, #tpu.memory_space<hbm>> -> memref<1x16x768xf32, #tpu.memory_space<hbm>>
        %dma_start3A_291 = tpu.memref_squeeze %dma_start3A_290 : memref<1x16x768xf32, #tpu.memory_space<hbm>> -> memref<16x768xf32, #tpu.memory_space<hbm>>
        %dma_start3A_292 = arith.constant 0 : i32
        %dma_start3A_293 = tpu.memref_slice %arg5[%run_scoped3A_187, %mul3A_4, %dma_start3A_292] : memref<12x416x768xf32, #tpu.memory_space<hbm>> -> memref<1x16x768xf32, #tpu.memory_space<hbm>>
        %dma_start3A_294 = tpu.memref_squeeze %dma_start3A_293 : memref<1x16x768xf32, #tpu.memory_space<hbm>> -> memref<16x768xf32, #tpu.memory_space<hbm>>
        tpu.enqueue_dma source(%arg9 : memref<16x768xf32, #tpu.memory_space<vmem>>) target(%dma_start3A_294 : memref<16x768xf32, #tpu.memory_space<hbm>>) target_semaphore(%run_scoped3A_288 : memref<!tpu.dma_semaphore, #tpu.memory_space<semaphore_mem>>)
        %dma_wait3A_295 = arith.constant 0 : i32
        %dma_wait3A_296 = tpu.memref_slice %arg5[%run_scoped3A_187, %mul3A_4, %dma_wait3A_295] : memref<12x416x768xf32, #tpu.memory_space<hbm>> -> memref<1x16x768xf32, #tpu.memory_space<hbm>>
        %dma_wait3A_297 = tpu.memref_squeeze %dma_wait3A_296 : memref<1x16x768xf32, #tpu.memory_space<hbm>> -> memref<16x768xf32, #tpu.memory_space<hbm>>
        %dma_wait3A_298 = arith.constant 0 : i32
        %dma_wait3A_299 = tpu.memref_slice %arg5[%run_scoped3A_187, %mul3A_4, %dma_wait3A_298] : memref<12x416x768xf32, #tpu.memory_space<hbm>> -> memref<1x16x768xf32, #tpu.memory_space<hbm>>
        %dma_wait3A_300 = tpu.memref_squeeze %dma_wait3A_299 : memref<1x16x768xf32, #tpu.memory_space<hbm>> -> memref<16x768xf32, #tpu.memory_space<hbm>>
        tpu.wait_dma2 semaphore(%run_scoped3A_288 : memref<!tpu.dma_semaphore, #tpu.memory_space<semaphore_mem>>) src(%arg9 : memref<16x768xf32, #tpu.memory_space<vmem>>) dst(%dma_wait3A_300 : memref<16x768xf32, #tpu.memory_space<hbm>>)
        tpu.yield
      }) : () -> ()
      %dma_wait3A_188 = arith.constant 0 : i32
      %dma_wait3A_189 = arith.constant 0 : i32
      %dma_wait3A_190 = tpu.memref_slice %arg3[%dma_wait3A_188, %dma_wait3A_189] : memref<24588x768xf32, #tpu.memory_space<hbm>> -> memref<24588x768xf32, #tpu.memory_space<hbm>>
      tpu.wait_indirect_dma semaphore(%arg12 : memref<!tpu.dma_semaphore, #tpu.memory_space<semaphore_mem>>) src(%dma_wait3A_190 : memref<24588x768xf32, #tpu.memory_space<hbm>>) dst(%arg10 : memref<16x768xf32, #tpu.memory_space<vmem>>)
      %run_scoped3A_191 = arith.constant 7 : i32
      "tpu.region"() ({
        %run_scoped3A_288 = tpu.sem_alloc : memref<!tpu.dma_semaphore, #tpu.memory_space<semaphore_mem>>
        %dma_start3A_289 = arith.constant 0 : i32
        %dma_start3A_290 = tpu.memref_slice %arg6[%run_scoped3A_191, %mul3A_4, %dma_start3A_289] : memref<12x416x768xf32, #tpu.memory_space<hbm>> -> memref<1x16x768xf32, #tpu.memory_space<hbm>>
        %dma_start3A_291 = tpu.memref_squeeze %dma_start3A_290 : memref<1x16x768xf32, #tpu.memory_space<hbm>> -> memref<16x768xf32, #tpu.memory_space<hbm>>
        %dma_start3A_292 = arith.constant 0 : i32
        %dma_start3A_293 = tpu.memref_slice %arg6[%run_scoped3A_191, %mul3A_4, %dma_start3A_292] : memref<12x416x768xf32, #tpu.memory_space<hbm>> -> memref<1x16x768xf32, #tpu.memory_space<hbm>>
        %dma_start3A_294 = tpu.memref_squeeze %dma_start3A_293 : memref<1x16x768xf32, #tpu.memory_space<hbm>> -> memref<16x768xf32, #tpu.memory_space<hbm>>
        tpu.enqueue_dma source(%arg10 : memref<16x768xf32, #tpu.memory_space<vmem>>) target(%dma_start3A_294 : memref<16x768xf32, #tpu.memory_space<hbm>>) target_semaphore(%run_scoped3A_288 : memref<!tpu.dma_semaphore, #tpu.memory_space<semaphore_mem>>)
        %dma_wait3A_295 = arith.constant 0 : i32
        %dma_wait3A_296 = tpu.memref_slice %arg6[%run_scoped3A_191, %mul3A_4, %dma_wait3A_295] : memref<12x416x768xf32, #tpu.memory_space<hbm>> -> memref<1x16x768xf32, #tpu.memory_space<hbm>>
        %dma_wait3A_297 = tpu.memref_squeeze %dma_wait3A_296 : memref<1x16x768xf32, #tpu.memory_space<hbm>> -> memref<16x768xf32, #tpu.memory_space<hbm>>
        %dma_wait3A_298 = arith.constant 0 : i32
        %dma_wait3A_299 = tpu.memref_slice %arg6[%run_scoped3A_191, %mul3A_4, %dma_wait3A_298] : memref<12x416x768xf32, #tpu.memory_space<hbm>> -> memref<1x16x768xf32, #tpu.memory_space<hbm>>
        %dma_wait3A_300 = tpu.memref_squeeze %dma_wait3A_299 : memref<1x16x768xf32, #tpu.memory_space<hbm>> -> memref<16x768xf32, #tpu.memory_space<hbm>>
        tpu.wait_dma2 semaphore(%run_scoped3A_288 : memref<!tpu.dma_semaphore, #tpu.memory_space<semaphore_mem>>) src(%arg10 : memref<16x768xf32, #tpu.memory_space<vmem>>) dst(%dma_wait3A_300 : memref<16x768xf32, #tpu.memory_space<hbm>>)
        tpu.yield
      }) : () -> ()
      %get3A_192 = arith.constant 0 : index
      %get3A_193 = tpu.vector_load %arg7[%get3A_192] {strides = array<i32>} : memref<16xi32, #tpu.memory_space<vmem>>, vector<16xi32>,
      %get3A_194 = vector.shape_cast %get3A_193 : vector<16xi32> to vector<16xi32>
      %add3A_195 = arith.constant 16393 : i32
      %add3A_196 = vector.broadcast %add3A_195 : i32 to vector<16xi32>
      %add3A_197 = arith.addi %get3A_194, %add3A_196 : vector<16xi32>
      %swap3A_198 = arith.constant 0 : index
      %swap3A_199 = tpu.vector_load %arg8[%swap3A_198] {strides = array<i32>} : memref<16xi32, #tpu.memory_space<vmem>>, vector<16xi32>,
      %swap3A_200 = vector.shape_cast %swap3A_199 : vector<16xi32> to vector<16xi32>
      %swap3A_201 = vector.shape_cast %add3A_197 : vector<16xi32> to vector<16xi32>
      tpu.vector_store %arg8[%swap3A_198], %swap3A_201 {strides = array<i32>} : memref<16xi32, #tpu.memory_space<vmem>>, vector<16xi32>,
      %dma_start3A_202 = arith.constant 0 : i32
      %dma_start3A_203 = arith.constant 0 : i32
      %dma_start3A_204 = tpu.memref_slice %arg2[%dma_start3A_202, %dma_start3A_203] : memref<24588x768xf32, #tpu.memory_space<hbm>> -> memref<24588x768xf32, #tpu.memory_space<hbm>>
      tpu.enqueue_indirect_dma source(%dma_start3A_204 : memref<24588x768xf32, #tpu.memory_space<hbm>>) target(%arg9 : memref<16x768xf32, #tpu.memory_space<vmem>>) offsets(%arg8 : memref<16xi32, #tpu.memory_space<vmem>>) semaphore(%arg11 : memref<!tpu.dma_semaphore, #tpu.memory_space<semaphore_mem>>)
      %dma_start3A_205 = arith.constant 0 : i32
      %dma_start3A_206 = arith.constant 0 : i32
      %dma_start3A_207 = tpu.memref_slice %arg3[%dma_start3A_205, %dma_start3A_206] : memref<24588x768xf32, #tpu.memory_space<hbm>> -> memref<24588x768xf32, #tpu.memory_space<hbm>>
      tpu.enqueue_indirect_dma source(%dma_start3A_207 : memref<24588x768xf32, #tpu.memory_space<hbm>>) target(%arg10 : memref<16x768xf32, #tpu.memory_space<vmem>>) offsets(%arg8 : memref<16xi32, #tpu.memory_space<vmem>>) semaphore(%arg12 : memref<!tpu.dma_semaphore, #tpu.memory_space<semaphore_mem>>)
      %dma_wait3A_208 = arith.constant 0 : i32
      %dma_wait3A_209 = arith.constant 0 : i32
      %dma_wait3A_210 = tpu.memref_slice %arg2[%dma_wait3A_208, %dma_wait3A_209] : memref<24588x768xf32, #tpu.memory_space<hbm>> -> memref<24588x768xf32, #tpu.memory_space<hbm>>
      tpu.wait_indirect_dma semaphore(%arg11 : memref<!tpu.dma_semaphore, #tpu.memory_space<semaphore_mem>>) src(%dma_wait3A_210 : memref<24588x768xf32, #tpu.memory_space<hbm>>) dst(%arg9 : memref<16x768xf32, #tpu.memory_space<vmem>>)
      %run_scoped3A_211 = arith.constant 8 : i32
      "tpu.region"() ({
        %run_scoped3A_288 = tpu.sem_alloc : memref<!tpu.dma_semaphore, #tpu.memory_space<semaphore_mem>>
        %dma_start3A_289 = arith.constant 0 : i32
        %dma_start3A_290 = tpu.memref_slice %arg5[%run_scoped3A_211, %mul3A_4, %dma_start3A_289] : memref<12x416x768xf32, #tpu.memory_space<hbm>> -> memref<1x16x768xf32, #tpu.memory_space<hbm>>
        %dma_start3A_291 = tpu.memref_squeeze %dma_start3A_290 : memref<1x16x768xf32, #tpu.memory_space<hbm>> -> memref<16x768xf32, #tpu.memory_space<hbm>>
        %dma_start3A_292 = arith.constant 0 : i32
        %dma_start3A_293 = tpu.memref_slice %arg5[%run_scoped3A_211, %mul3A_4, %dma_start3A_292] : memref<12x416x768xf32, #tpu.memory_space<hbm>> -> memref<1x16x768xf32, #tpu.memory_space<hbm>>
        %dma_start3A_294 = tpu.memref_squeeze %dma_start3A_293 : memref<1x16x768xf32, #tpu.memory_space<hbm>> -> memref<16x768xf32, #tpu.memory_space<hbm>>
        tpu.enqueue_dma source(%arg9 : memref<16x768xf32, #tpu.memory_space<vmem>>) target(%dma_start3A_294 : memref<16x768xf32, #tpu.memory_space<hbm>>) target_semaphore(%run_scoped3A_288 : memref<!tpu.dma_semaphore, #tpu.memory_space<semaphore_mem>>)
        %dma_wait3A_295 = arith.constant 0 : i32
        %dma_wait3A_296 = tpu.memref_slice %arg5[%run_scoped3A_211, %mul3A_4, %dma_wait3A_295] : memref<12x416x768xf32, #tpu.memory_space<hbm>> -> memref<1x16x768xf32, #tpu.memory_space<hbm>>
        %dma_wait3A_297 = tpu.memref_squeeze %dma_wait3A_296 : memref<1x16x768xf32, #tpu.memory_space<hbm>> -> memref<16x768xf32, #tpu.memory_space<hbm>>
        %dma_wait3A_298 = arith.constant 0 : i32
        %dma_wait3A_299 = tpu.memref_slice %arg5[%run_scoped3A_211, %mul3A_4, %dma_wait3A_298] : memref<12x416x768xf32, #tpu.memory_space<hbm>> -> memref<1x16x768xf32, #tpu.memory_space<hbm>>
        %dma_wait3A_300 = tpu.memref_squeeze %dma_wait3A_299 : memref<1x16x768xf32, #tpu.memory_space<hbm>> -> memref<16x768xf32, #tpu.memory_space<hbm>>
        tpu.wait_dma2 semaphore(%run_scoped3A_288 : memref<!tpu.dma_semaphore, #tpu.memory_space<semaphore_mem>>) src(%arg9 : memref<16x768xf32, #tpu.memory_space<vmem>>) dst(%dma_wait3A_300 : memref<16x768xf32, #tpu.memory_space<hbm>>)
        tpu.yield
      }) : () -> ()
      %dma_wait3A_212 = arith.constant 0 : i32
      %dma_wait3A_213 = arith.constant 0 : i32
      %dma_wait3A_214 = tpu.memref_slice %arg3[%dma_wait3A_212, %dma_wait3A_213] : memref<24588x768xf32, #tpu.memory_space<hbm>> -> memref<24588x768xf32, #tpu.memory_space<hbm>>
      tpu.wait_indirect_dma semaphore(%arg12 : memref<!tpu.dma_semaphore, #tpu.memory_space<semaphore_mem>>) src(%dma_wait3A_214 : memref<24588x768xf32, #tpu.memory_space<hbm>>) dst(%arg10 : memref<16x768xf32, #tpu.memory_space<vmem>>)
      %run_scoped3A_215 = arith.constant 8 : i32
      "tpu.region"() ({
        %run_scoped3A_288 = tpu.sem_alloc : memref<!tpu.dma_semaphore, #tpu.memory_space<semaphore_mem>>
        %dma_start3A_289 = arith.constant 0 : i32
        %dma_start3A_290 = tpu.memref_slice %arg6[%run_scoped3A_215, %mul3A_4, %dma_start3A_289] : memref<12x416x768xf32, #tpu.memory_space<hbm>> -> memref<1x16x768xf32, #tpu.memory_space<hbm>>
        %dma_start3A_291 = tpu.memref_squeeze %dma_start3A_290 : memref<1x16x768xf32, #tpu.memory_space<hbm>> -> memref<16x768xf32, #tpu.memory_space<hbm>>
        %dma_start3A_292 = arith.constant 0 : i32
        %dma_start3A_293 = tpu.memref_slice %arg6[%run_scoped3A_215, %mul3A_4, %dma_start3A_292] : memref<12x416x768xf32, #tpu.memory_space<hbm>> -> memref<1x16x768xf32, #tpu.memory_space<hbm>>
        %dma_start3A_294 = tpu.memref_squeeze %dma_start3A_293 : memref<1x16x768xf32, #tpu.memory_space<hbm>> -> memref<16x768xf32, #tpu.memory_space<hbm>>
        tpu.enqueue_dma source(%arg10 : memref<16x768xf32, #tpu.memory_space<vmem>>) target(%dma_start3A_294 : memref<16x768xf32, #tpu.memory_space<hbm>>) target_semaphore(%run_scoped3A_288 : memref<!tpu.dma_semaphore, #tpu.memory_space<semaphore_mem>>)
        %dma_wait3A_295 = arith.constant 0 : i32
        %dma_wait3A_296 = tpu.memref_slice %arg6[%run_scoped3A_215, %mul3A_4, %dma_wait3A_295] : memref<12x416x768xf32, #tpu.memory_space<hbm>> -> memref<1x16x768xf32, #tpu.memory_space<hbm>>
        %dma_wait3A_297 = tpu.memref_squeeze %dma_wait3A_296 : memref<1x16x768xf32, #tpu.memory_space<hbm>> -> memref<16x768xf32, #tpu.memory_space<hbm>>
        %dma_wait3A_298 = arith.constant 0 : i32
        %dma_wait3A_299 = tpu.memref_slice %arg6[%run_scoped3A_215, %mul3A_4, %dma_wait3A_298] : memref<12x416x768xf32, #tpu.memory_space<hbm>> -> memref<1x16x768xf32, #tpu.memory_space<hbm>>
        %dma_wait3A_300 = tpu.memref_squeeze %dma_wait3A_299 : memref<1x16x768xf32, #tpu.memory_space<hbm>> -> memref<16x768xf32, #tpu.memory_space<hbm>>
        tpu.wait_dma2 semaphore(%run_scoped3A_288 : memref<!tpu.dma_semaphore, #tpu.memory_space<semaphore_mem>>) src(%arg10 : memref<16x768xf32, #tpu.memory_space<vmem>>) dst(%dma_wait3A_300 : memref<16x768xf32, #tpu.memory_space<hbm>>)
        tpu.yield
      }) : () -> ()
      %get3A_216 = arith.constant 0 : index
      %get3A_217 = tpu.vector_load %arg7[%get3A_216] {strides = array<i32>} : memref<16xi32, #tpu.memory_space<vmem>>, vector<16xi32>,
      %get3A_218 = vector.shape_cast %get3A_217 : vector<16xi32> to vector<16xi32>
      %add3A_219 = arith.constant 18442 : i32
      %add3A_220 = vector.broadcast %add3A_219 : i32 to vector<16xi32>
      %add3A_221 = arith.addi %get3A_218, %add3A_220 : vector<16xi32>
      %swap3A_222 = arith.constant 0 : index
      %swap3A_223 = tpu.vector_load %arg8[%swap3A_222] {strides = array<i32>} : memref<16xi32, #tpu.memory_space<vmem>>, vector<16xi32>,
      %swap3A_224 = vector.shape_cast %swap3A_223 : vector<16xi32> to vector<16xi32>
      %swap3A_225 = vector.shape_cast %add3A_221 : vector<16xi32> to vector<16xi32>
      tpu.vector_store %arg8[%swap3A_222], %swap3A_225 {strides = array<i32>} : memref<16xi32, #tpu.memory_space<vmem>>, vector<16xi32>,
      %dma_start3A_226 = arith.constant 0 : i32
      %dma_start3A_227 = arith.constant 0 : i32
      %dma_start3A_228 = tpu.memref_slice %arg2[%dma_start3A_226, %dma_start3A_227] : memref<24588x768xf32, #tpu.memory_space<hbm>> -> memref<24588x768xf32, #tpu.memory_space<hbm>>
      tpu.enqueue_indirect_dma source(%dma_start3A_228 : memref<24588x768xf32, #tpu.memory_space<hbm>>) target(%arg9 : memref<16x768xf32, #tpu.memory_space<vmem>>) offsets(%arg8 : memref<16xi32, #tpu.memory_space<vmem>>) semaphore(%arg11 : memref<!tpu.dma_semaphore, #tpu.memory_space<semaphore_mem>>)
      %dma_start3A_229 = arith.constant 0 : i32
      %dma_start3A_230 = arith.constant 0 : i32
      %dma_start3A_231 = tpu.memref_slice %arg3[%dma_start3A_229, %dma_start3A_230] : memref<24588x768xf32, #tpu.memory_space<hbm>> -> memref<24588x768xf32, #tpu.memory_space<hbm>>
      tpu.enqueue_indirect_dma source(%dma_start3A_231 : memref<24588x768xf32, #tpu.memory_space<hbm>>) target(%arg10 : memref<16x768xf32, #tpu.memory_space<vmem>>) offsets(%arg8 : memref<16xi32, #tpu.memory_space<vmem>>) semaphore(%arg12 : memref<!tpu.dma_semaphore, #tpu.memory_space<semaphore_mem>>)
      %dma_wait3A_232 = arith.constant 0 : i32
      %dma_wait3A_233 = arith.constant 0 : i32
      %dma_wait3A_234 = tpu.memref_slice %arg2[%dma_wait3A_232, %dma_wait3A_233] : memref<24588x768xf32, #tpu.memory_space<hbm>> -> memref<24588x768xf32, #tpu.memory_space<hbm>>
      tpu.wait_indirect_dma semaphore(%arg11 : memref<!tpu.dma_semaphore, #tpu.memory_space<semaphore_mem>>) src(%dma_wait3A_234 : memref<24588x768xf32, #tpu.memory_space<hbm>>) dst(%arg9 : memref<16x768xf32, #tpu.memory_space<vmem>>)
      %run_scoped3A_235 = arith.constant 9 : i32
      "tpu.region"() ({
        %run_scoped3A_288 = tpu.sem_alloc : memref<!tpu.dma_semaphore, #tpu.memory_space<semaphore_mem>>
        %dma_start3A_289 = arith.constant 0 : i32
        %dma_start3A_290 = tpu.memref_slice %arg5[%run_scoped3A_235, %mul3A_4, %dma_start3A_289] : memref<12x416x768xf32, #tpu.memory_space<hbm>> -> memref<1x16x768xf32, #tpu.memory_space<hbm>>
        %dma_start3A_291 = tpu.memref_squeeze %dma_start3A_290 : memref<1x16x768xf32, #tpu.memory_space<hbm>> -> memref<16x768xf32, #tpu.memory_space<hbm>>
        %dma_start3A_292 = arith.constant 0 : i32
        %dma_start3A_293 = tpu.memref_slice %arg5[%run_scoped3A_235, %mul3A_4, %dma_start3A_292] : memref<12x416x768xf32, #tpu.memory_space<hbm>> -> memref<1x16x768xf32, #tpu.memory_space<hbm>>
        %dma_start3A_294 = tpu.memref_squeeze %dma_start3A_293 : memref<1x16x768xf32, #tpu.memory_space<hbm>> -> memref<16x768xf32, #tpu.memory_space<hbm>>
        tpu.enqueue_dma source(%arg9 : memref<16x768xf32, #tpu.memory_space<vmem>>) target(%dma_start3A_294 : memref<16x768xf32, #tpu.memory_space<hbm>>) target_semaphore(%run_scoped3A_288 : memref<!tpu.dma_semaphore, #tpu.memory_space<semaphore_mem>>)
        %dma_wait3A_295 = arith.constant 0 : i32
        %dma_wait3A_296 = tpu.memref_slice %arg5[%run_scoped3A_235, %mul3A_4, %dma_wait3A_295] : memref<12x416x768xf32, #tpu.memory_space<hbm>> -> memref<1x16x768xf32, #tpu.memory_space<hbm>>
        %dma_wait3A_297 = tpu.memref_squeeze %dma_wait3A_296 : memref<1x16x768xf32, #tpu.memory_space<hbm>> -> memref<16x768xf32, #tpu.memory_space<hbm>>
        %dma_wait3A_298 = arith.constant 0 : i32
        %dma_wait3A_299 = tpu.memref_slice %arg5[%run_scoped3A_235, %mul3A_4, %dma_wait3A_298] : memref<12x416x768xf32, #tpu.memory_space<hbm>> -> memref<1x16x768xf32, #tpu.memory_space<hbm>>
        %dma_wait3A_300 = tpu.memref_squeeze %dma_wait3A_299 : memref<1x16x768xf32, #tpu.memory_space<hbm>> -> memref<16x768xf32, #tpu.memory_space<hbm>>
        tpu.wait_dma2 semaphore(%run_scoped3A_288 : memref<!tpu.dma_semaphore, #tpu.memory_space<semaphore_mem>>) src(%arg9 : memref<16x768xf32, #tpu.memory_space<vmem>>) dst(%dma_wait3A_300 : memref<16x768xf32, #tpu.memory_space<hbm>>)
        tpu.yield
      }) : () -> ()
      %dma_wait3A_236 = arith.constant 0 : i32
      %dma_wait3A_237 = arith.constant 0 : i32
      %dma_wait3A_238 = tpu.memref_slice %arg3[%dma_wait3A_236, %dma_wait3A_237] : memref<24588x768xf32, #tpu.memory_space<hbm>> -> memref<24588x768xf32, #tpu.memory_space<hbm>>
      tpu.wait_indirect_dma semaphore(%arg12 : memref<!tpu.dma_semaphore, #tpu.memory_space<semaphore_mem>>) src(%dma_wait3A_238 : memref<24588x768xf32, #tpu.memory_space<hbm>>) dst(%arg10 : memref<16x768xf32, #tpu.memory_space<vmem>>)
      %run_scoped3A_239 = arith.constant 9 : i32
      "tpu.region"() ({
        %run_scoped3A_288 = tpu.sem_alloc : memref<!tpu.dma_semaphore, #tpu.memory_space<semaphore_mem>>
        %dma_start3A_289 = arith.constant 0 : i32
        %dma_start3A_290 = tpu.memref_slice %arg6[%run_scoped3A_239, %mul3A_4, %dma_start3A_289] : memref<12x416x768xf32, #tpu.memory_space<hbm>> -> memref<1x16x768xf32, #tpu.memory_space<hbm>>
        %dma_start3A_291 = tpu.memref_squeeze %dma_start3A_290 : memref<1x16x768xf32, #tpu.memory_space<hbm>> -> memref<16x768xf32, #tpu.memory_space<hbm>>
        %dma_start3A_292 = arith.constant 0 : i32
        %dma_start3A_293 = tpu.memref_slice %arg6[%run_scoped3A_239, %mul3A_4, %dma_start3A_292] : memref<12x416x768xf32, #tpu.memory_space<hbm>> -> memref<1x16x768xf32, #tpu.memory_space<hbm>>
        %dma_start3A_294 = tpu.memref_squeeze %dma_start3A_293 : memref<1x16x768xf32, #tpu.memory_space<hbm>> -> memref<16x768xf32, #tpu.memory_space<hbm>>
        tpu.enqueue_dma source(%arg10 : memref<16x768xf32, #tpu.memory_space<vmem>>) target(%dma_start3A_294 : memref<16x768xf32, #tpu.memory_space<hbm>>) target_semaphore(%run_scoped3A_288 : memref<!tpu.dma_semaphore, #tpu.memory_space<semaphore_mem>>)
        %dma_wait3A_295 = arith.constant 0 : i32
        %dma_wait3A_296 = tpu.memref_slice %arg6[%run_scoped3A_239, %mul3A_4, %dma_wait3A_295] : memref<12x416x768xf32, #tpu.memory_space<hbm>> -> memref<1x16x768xf32, #tpu.memory_space<hbm>>
        %dma_wait3A_297 = tpu.memref_squeeze %dma_wait3A_296 : memref<1x16x768xf32, #tpu.memory_space<hbm>> -> memref<16x768xf32, #tpu.memory_space<hbm>>
        %dma_wait3A_298 = arith.constant 0 : i32
        %dma_wait3A_299 = tpu.memref_slice %arg6[%run_scoped3A_239, %mul3A_4, %dma_wait3A_298] : memref<12x416x768xf32, #tpu.memory_space<hbm>> -> memref<1x16x768xf32, #tpu.memory_space<hbm>>
        %dma_wait3A_300 = tpu.memref_squeeze %dma_wait3A_299 : memref<1x16x768xf32, #tpu.memory_space<hbm>> -> memref<16x768xf32, #tpu.memory_space<hbm>>
        tpu.wait_dma2 semaphore(%run_scoped3A_288 : memref<!tpu.dma_semaphore, #tpu.memory_space<semaphore_mem>>) src(%arg10 : memref<16x768xf32, #tpu.memory_space<vmem>>) dst(%dma_wait3A_300 : memref<16x768xf32, #tpu.memory_space<hbm>>)
        tpu.yield
      }) : () -> ()
      %get3A_240 = arith.constant 0 : index
      %get3A_241 = tpu.vector_load %arg7[%get3A_240] {strides = array<i32>} : memref<16xi32, #tpu.memory_space<vmem>>, vector<16xi32>,
      %get3A_242 = vector.shape_cast %get3A_241 : vector<16xi32> to vector<16xi32>
      %add3A_243 = arith.constant 20491 : i32
      %add3A_244 = vector.broadcast %add3A_243 : i32 to vector<16xi32>
      %add3A_245 = arith.addi %get3A_242, %add3A_244 : vector<16xi32>
      %swap3A_246 = arith.constant 0 : index
      %swap3A_247 = tpu.vector_load %arg8[%swap3A_246] {strides = array<i32>} : memref<16xi32, #tpu.memory_space<vmem>>, vector<16xi32>,
      %swap3A_248 = vector.shape_cast %swap3A_247 : vector<16xi32> to vector<16xi32>
      %swap3A_249 = vector.shape_cast %add3A_245 : vector<16xi32> to vector<16xi32>
      tpu.vector_store %arg8[%swap3A_246], %swap3A_249 {strides = array<i32>} : memref<16xi32, #tpu.memory_space<vmem>>, vector<16xi32>,
      %dma_start3A_250 = arith.constant 0 : i32
      %dma_start3A_251 = arith.constant 0 : i32
      %dma_start3A_252 = tpu.memref_slice %arg2[%dma_start3A_250, %dma_start3A_251] : memref<24588x768xf32, #tpu.memory_space<hbm>> -> memref<24588x768xf32, #tpu.memory_space<hbm>>
      tpu.enqueue_indirect_dma source(%dma_start3A_252 : memref<24588x768xf32, #tpu.memory_space<hbm>>) target(%arg9 : memref<16x768xf32, #tpu.memory_space<vmem>>) offsets(%arg8 : memref<16xi32, #tpu.memory_space<vmem>>) semaphore(%arg11 : memref<!tpu.dma_semaphore, #tpu.memory_space<semaphore_mem>>)
      %dma_start3A_253 = arith.constant 0 : i32
      %dma_start3A_254 = arith.constant 0 : i32
      %dma_start3A_255 = tpu.memref_slice %arg3[%dma_start3A_253, %dma_start3A_254] : memref<24588x768xf32, #tpu.memory_space<hbm>> -> memref<24588x768xf32, #tpu.memory_space<hbm>>
      tpu.enqueue_indirect_dma source(%dma_start3A_255 : memref<24588x768xf32, #tpu.memory_space<hbm>>) target(%arg10 : memref<16x768xf32, #tpu.memory_space<vmem>>) offsets(%arg8 : memref<16xi32, #tpu.memory_space<vmem>>) semaphore(%arg12 : memref<!tpu.dma_semaphore, #tpu.memory_space<semaphore_mem>>)
      %dma_wait3A_256 = arith.constant 0 : i32
      %dma_wait3A_257 = arith.constant 0 : i32
      %dma_wait3A_258 = tpu.memref_slice %arg2[%dma_wait3A_256, %dma_wait3A_257] : memref<24588x768xf32, #tpu.memory_space<hbm>> -> memref<24588x768xf32, #tpu.memory_space<hbm>>
      tpu.wait_indirect_dma semaphore(%arg11 : memref<!tpu.dma_semaphore, #tpu.memory_space<semaphore_mem>>) src(%dma_wait3A_258 : memref<24588x768xf32, #tpu.memory_space<hbm>>) dst(%arg9 : memref<16x768xf32, #tpu.memory_space<vmem>>)
      %run_scoped3A_259 = arith.constant 10 : i32
      "tpu.region"() ({
        %run_scoped3A_288 = tpu.sem_alloc : memref<!tpu.dma_semaphore, #tpu.memory_space<semaphore_mem>>
        %dma_start3A_289 = arith.constant 0 : i32
        %dma_start3A_290 = tpu.memref_slice %arg5[%run_scoped3A_259, %mul3A_4, %dma_start3A_289] : memref<12x416x768xf32, #tpu.memory_space<hbm>> -> memref<1x16x768xf32, #tpu.memory_space<hbm>>
        %dma_start3A_291 = tpu.memref_squeeze %dma_start3A_290 : memref<1x16x768xf32, #tpu.memory_space<hbm>> -> memref<16x768xf32, #tpu.memory_space<hbm>>
        %dma_start3A_292 = arith.constant 0 : i32
        %dma_start3A_293 = tpu.memref_slice %arg5[%run_scoped3A_259, %mul3A_4, %dma_start3A_292] : memref<12x416x768xf32, #tpu.memory_space<hbm>> -> memref<1x16x768xf32, #tpu.memory_space<hbm>>
        %dma_start3A_294 = tpu.memref_squeeze %dma_start3A_293 : memref<1x16x768xf32, #tpu.memory_space<hbm>> -> memref<16x768xf32, #tpu.memory_space<hbm>>
        tpu.enqueue_dma source(%arg9 : memref<16x768xf32, #tpu.memory_space<vmem>>) target(%dma_start3A_294 : memref<16x768xf32, #tpu.memory_space<hbm>>) target_semaphore(%run_scoped3A_288 : memref<!tpu.dma_semaphore, #tpu.memory_space<semaphore_mem>>)
        %dma_wait3A_295 = arith.constant 0 : i32
        %dma_wait3A_296 = tpu.memref_slice %arg5[%run_scoped3A_259, %mul3A_4, %dma_wait3A_295] : memref<12x416x768xf32, #tpu.memory_space<hbm>> -> memref<1x16x768xf32, #tpu.memory_space<hbm>>
        %dma_wait3A_297 = tpu.memref_squeeze %dma_wait3A_296 : memref<1x16x768xf32, #tpu.memory_space<hbm>> -> memref<16x768xf32, #tpu.memory_space<hbm>>
        %dma_wait3A_298 = arith.constant 0 : i32
        %dma_wait3A_299 = tpu.memref_slice %arg5[%run_scoped3A_259, %mul3A_4, %dma_wait3A_298] : memref<12x416x768xf32, #tpu.memory_space<hbm>> -> memref<1x16x768xf32, #tpu.memory_space<hbm>>
        %dma_wait3A_300 = tpu.memref_squeeze %dma_wait3A_299 : memref<1x16x768xf32, #tpu.memory_space<hbm>> -> memref<16x768xf32, #tpu.memory_space<hbm>>
        tpu.wait_dma2 semaphore(%run_scoped3A_288 : memref<!tpu.dma_semaphore, #tpu.memory_space<semaphore_mem>>) src(%arg9 : memref<16x768xf32, #tpu.memory_space<vmem>>) dst(%dma_wait3A_300 : memref<16x768xf32, #tpu.memory_space<hbm>>)
        tpu.yield
      }) : () -> ()
      %dma_wait3A_260 = arith.constant 0 : i32
      %dma_wait3A_261 = arith.constant 0 : i32
      %dma_wait3A_262 = tpu.memref_slice %arg3[%dma_wait3A_260, %dma_wait3A_261] : memref<24588x768xf32, #tpu.memory_space<hbm>> -> memref<24588x768xf32, #tpu.memory_space<hbm>>
      tpu.wait_indirect_dma semaphore(%arg12 : memref<!tpu.dma_semaphore, #tpu.memory_space<semaphore_mem>>) src(%dma_wait3A_262 : memref<24588x768xf32, #tpu.memory_space<hbm>>) dst(%arg10 : memref<16x768xf32, #tpu.memory_space<vmem>>)
      %run_scoped3A_263 = arith.constant 10 : i32
      "tpu.region"() ({
        %run_scoped3A_288 = tpu.sem_alloc : memref<!tpu.dma_semaphore, #tpu.memory_space<semaphore_mem>>
        %dma_start3A_289 = arith.constant 0 : i32
        %dma_start3A_290 = tpu.memref_slice %arg6[%run_scoped3A_263, %mul3A_4, %dma_start3A_289] : memref<12x416x768xf32, #tpu.memory_space<hbm>> -> memref<1x16x768xf32, #tpu.memory_space<hbm>>
        %dma_start3A_291 = tpu.memref_squeeze %dma_start3A_290 : memref<1x16x768xf32, #tpu.memory_space<hbm>> -> memref<16x768xf32, #tpu.memory_space<hbm>>
        %dma_start3A_292 = arith.constant 0 : i32
        %dma_start3A_293 = tpu.memref_slice %arg6[%run_scoped3A_263, %mul3A_4, %dma_start3A_292] : memref<12x416x768xf32, #tpu.memory_space<hbm>> -> memref<1x16x768xf32, #tpu.memory_space<hbm>>
        %dma_start3A_294 = tpu.memref_squeeze %dma_start3A_293 : memref<1x16x768xf32, #tpu.memory_space<hbm>> -> memref<16x768xf32, #tpu.memory_space<hbm>>
        tpu.enqueue_dma source(%arg10 : memref<16x768xf32, #tpu.memory_space<vmem>>) target(%dma_start3A_294 : memref<16x768xf32, #tpu.memory_space<hbm>>) target_semaphore(%run_scoped3A_288 : memref<!tpu.dma_semaphore, #tpu.memory_space<semaphore_mem>>)
        %dma_wait3A_295 = arith.constant 0 : i32
        %dma_wait3A_296 = tpu.memref_slice %arg6[%run_scoped3A_263, %mul3A_4, %dma_wait3A_295] : memref<12x416x768xf32, #tpu.memory_space<hbm>> -> memref<1x16x768xf32, #tpu.memory_space<hbm>>
        %dma_wait3A_297 = tpu.memref_squeeze %dma_wait3A_296 : memref<1x16x768xf32, #tpu.memory_space<hbm>> -> memref<16x768xf32, #tpu.memory_space<hbm>>
        %dma_wait3A_298 = arith.constant 0 : i32
        %dma_wait3A_299 = tpu.memref_slice %arg6[%run_scoped3A_263, %mul3A_4, %dma_wait3A_298] : memref<12x416x768xf32, #tpu.memory_space<hbm>> -> memref<1x16x768xf32, #tpu.memory_space<hbm>>
        %dma_wait3A_300 = tpu.memref_squeeze %dma_wait3A_299 : memref<1x16x768xf32, #tpu.memory_space<hbm>> -> memref<16x768xf32, #tpu.memory_space<hbm>>
        tpu.wait_dma2 semaphore(%run_scoped3A_288 : memref<!tpu.dma_semaphore, #tpu.memory_space<semaphore_mem>>) src(%arg10 : memref<16x768xf32, #tpu.memory_space<vmem>>) dst(%dma_wait3A_300 : memref<16x768xf32, #tpu.memory_space<hbm>>)
        tpu.yield
      }) : () -> ()
      %get3A_264 = arith.constant 0 : index
      %get3A_265 = tpu.vector_load %arg7[%get3A_264] {strides = array<i32>} : memref<16xi32, #tpu.memory_space<vmem>>, vector<16xi32>,
      %get3A_266 = vector.shape_cast %get3A_265 : vector<16xi32> to vector<16xi32>
      %add3A_267 = arith.constant 22540 : i32
      %add3A_268 = vector.broadcast %add3A_267 : i32 to vector<16xi32>
      %add3A_269 = arith.addi %get3A_266, %add3A_268 : vector<16xi32>
      %swap3A_270 = arith.constant 0 : index
      %swap3A_271 = tpu.vector_load %arg8[%swap3A_270] {strides = array<i32>} : memref<16xi32, #tpu.memory_space<vmem>>, vector<16xi32>,
      %swap3A_272 = vector.shape_cast %swap3A_271 : vector<16xi32> to vector<16xi32>
      %swap3A_273 = vector.shape_cast %add3A_269 : vector<16xi32> to vector<16xi32>
      tpu.vector_store %arg8[%swap3A_270], %swap3A_273 {strides = array<i32>} : memref<16xi32, #tpu.memory_space<vmem>>, vector<16xi32>,
      %dma_start3A_274 = arith.constant 0 : i32
      %dma_start3A_275 = arith.constant 0 : i32
      %dma_start3A_276 = tpu.memref_slice %arg2[%dma_start3A_274, %dma_start3A_275] : memref<24588x768xf32, #tpu.memory_space<hbm>> -> memref<24588x768xf32, #tpu.memory_space<hbm>>
      tpu.enqueue_indirect_dma source(%dma_start3A_276 : memref<24588x768xf32, #tpu.memory_space<hbm>>) target(%arg9 : memref<16x768xf32, #tpu.memory_space<vmem>>) offsets(%arg8 : memref<16xi32, #tpu.memory_space<vmem>>) semaphore(%arg11 : memref<!tpu.dma_semaphore, #tpu.memory_space<semaphore_mem>>)
      %dma_start3A_277 = arith.constant 0 : i32
      %dma_start3A_278 = arith.constant 0 : i32
      %dma_start3A_279 = tpu.memref_slice %arg3[%dma_start3A_277, %dma_start3A_278] : memref<24588x768xf32, #tpu.memory_space<hbm>> -> memref<24588x768xf32, #tpu.memory_space<hbm>>
      tpu.enqueue_indirect_dma source(%dma_start3A_279 : memref<24588x768xf32, #tpu.memory_space<hbm>>) target(%arg10 : memref<16x768xf32, #tpu.memory_space<vmem>>) offsets(%arg8 : memref<16xi32, #tpu.memory_space<vmem>>) semaphore(%arg12 : memref<!tpu.dma_semaphore, #tpu.memory_space<semaphore_mem>>)
      %dma_wait3A_280 = arith.constant 0 : i32
      %dma_wait3A_281 = arith.constant 0 : i32
      %dma_wait3A_282 = tpu.memref_slice %arg2[%dma_wait3A_280, %dma_wait3A_281] : memref<24588x768xf32, #tpu.memory_space<hbm>> -> memref<24588x768xf32, #tpu.memory_space<hbm>>
      tpu.wait_indirect_dma semaphore(%arg11 : memref<!tpu.dma_semaphore, #tpu.memory_space<semaphore_mem>>) src(%dma_wait3A_282 : memref<24588x768xf32, #tpu.memory_space<hbm>>) dst(%arg9 : memref<16x768xf32, #tpu.memory_space<vmem>>)
      %run_scoped3A_283 = arith.constant 11 : i32
      "tpu.region"() ({
        %run_scoped3A_288 = tpu.sem_alloc : memref<!tpu.dma_semaphore, #tpu.memory_space<semaphore_mem>>
        %dma_start3A_289 = arith.constant 0 : i32
        %dma_start3A_290 = tpu.memref_slice %arg5[%run_scoped3A_283, %mul3A_4, %dma_start3A_289] : memref<12x416x768xf32, #tpu.memory_space<hbm>> -> memref<1x16x768xf32, #tpu.memory_space<hbm>>
        %dma_start3A_291 = tpu.memref_squeeze %dma_start3A_290 : memref<1x16x768xf32, #tpu.memory_space<hbm>> -> memref<16x768xf32, #tpu.memory_space<hbm>>
        %dma_start3A_292 = arith.constant 0 : i32
        %dma_start3A_293 = tpu.memref_slice %arg5[%run_scoped3A_283, %mul3A_4, %dma_start3A_292] : memref<12x416x768xf32, #tpu.memory_space<hbm>> -> memref<1x16x768xf32, #tpu.memory_space<hbm>>
        %dma_start3A_294 = tpu.memref_squeeze %dma_start3A_293 : memref<1x16x768xf32, #tpu.memory_space<hbm>> -> memref<16x768xf32, #tpu.memory_space<hbm>>
        tpu.enqueue_dma source(%arg9 : memref<16x768xf32, #tpu.memory_space<vmem>>) target(%dma_start3A_294 : memref<16x768xf32, #tpu.memory_space<hbm>>) target_semaphore(%run_scoped3A_288 : memref<!tpu.dma_semaphore, #tpu.memory_space<semaphore_mem>>)
        %dma_wait3A_295 = arith.constant 0 : i32
        %dma_wait3A_296 = tpu.memref_slice %arg5[%run_scoped3A_283, %mul3A_4, %dma_wait3A_295] : memref<12x416x768xf32, #tpu.memory_space<hbm>> -> memref<1x16x768xf32, #tpu.memory_space<hbm>>
        %dma_wait3A_297 = tpu.memref_squeeze %dma_wait3A_296 : memref<1x16x768xf32, #tpu.memory_space<hbm>> -> memref<16x768xf32, #tpu.memory_space<hbm>>
        %dma_wait3A_298 = arith.constant 0 : i32
        %dma_wait3A_299 = tpu.memref_slice %arg5[%run_scoped3A_283, %mul3A_4, %dma_wait3A_298] : memref<12x416x768xf32, #tpu.memory_space<hbm>> -> memref<1x16x768xf32, #tpu.memory_space<hbm>>
        %dma_wait3A_300 = tpu.memref_squeeze %dma_wait3A_299 : memref<1x16x768xf32, #tpu.memory_space<hbm>> -> memref<16x768xf32, #tpu.memory_space<hbm>>
        tpu.wait_dma2 semaphore(%run_scoped3A_288 : memref<!tpu.dma_semaphore, #tpu.memory_space<semaphore_mem>>) src(%arg9 : memref<16x768xf32, #tpu.memory_space<vmem>>) dst(%dma_wait3A_300 : memref<16x768xf32, #tpu.memory_space<hbm>>)
        tpu.yield
      }) : () -> ()
      %dma_wait3A_284 = arith.constant 0 : i32
      %dma_wait3A_285 = arith.constant 0 : i32
      %dma_wait3A_286 = tpu.memref_slice %arg3[%dma_wait3A_284, %dma_wait3A_285] : memref<24588x768xf32, #tpu.memory_space<hbm>> -> memref<24588x768xf32, #tpu.memory_space<hbm>>
      tpu.wait_indirect_dma semaphore(%arg12 : memref<!tpu.dma_semaphore, #tpu.memory_space<semaphore_mem>>) src(%dma_wait3A_286 : memref<24588x768xf32, #tpu.memory_space<hbm>>) dst(%arg10 : memref<16x768xf32, #tpu.memory_space<vmem>>)
      %run_scoped3A_287 = arith.constant 11 : i32
      "tpu.region"() ({
        %run_scoped3A_288 = tpu.sem_alloc : memref<!tpu.dma_semaphore, #tpu.memory_space<semaphore_mem>>
        %dma_start3A_289 = arith.constant 0 : i32
        %dma_start3A_290 = tpu.memref_slice %arg6[%run_scoped3A_287, %mul3A_4, %dma_start3A_289] : memref<12x416x768xf32, #tpu.memory_space<hbm>> -> memref<1x16x768xf32, #tpu.memory_space<hbm>>
        %dma_start3A_291 = tpu.memref_squeeze %dma_start3A_290 : memref<1x16x768xf32, #tpu.memory_space<hbm>> -> memref<16x768xf32, #tpu.memory_space<hbm>>
        %dma_start3A_292 = arith.constant 0 : i32
        %dma_start3A_293 = tpu.memref_slice %arg6[%run_scoped3A_287, %mul3A_4, %dma_start3A_292] : memref<12x416x768xf32, #tpu.memory_space<hbm>> -> memref<1x16x768xf32, #tpu.memory_space<hbm>>
        %dma_start3A_294 = tpu.memref_squeeze %dma_start3A_293 : memref<1x16x768xf32, #tpu.memory_space<hbm>> -> memref<16x768xf32, #tpu.memory_space<hbm>>
        tpu.enqueue_dma source(%arg10 : memref<16x768xf32, #tpu.memory_space<vmem>>) target(%dma_start3A_294 : memref<16x768xf32, #tpu.memory_space<hbm>>) target_semaphore(%run_scoped3A_288 : memref<!tpu.dma_semaphore, #tpu.memory_space<semaphore_mem>>)
        %dma_wait3A_295 = arith.constant 0 : i32
        %dma_wait3A_296 = tpu.memref_slice %arg6[%run_scoped3A_287, %mul3A_4, %dma_wait3A_295] : memref<12x416x768xf32, #tpu.memory_space<hbm>> -> memref<1x16x768xf32, #tpu.memory_space<hbm>>
        %dma_wait3A_297 = tpu.memref_squeeze %dma_wait3A_296 : memref<1x16x768xf32, #tpu.memory_space<hbm>> -> memref<16x768xf32, #tpu.memory_space<hbm>>
        %dma_wait3A_298 = arith.constant 0 : i32
        %dma_wait3A_299 = tpu.memref_slice %arg6[%run_scoped3A_287, %mul3A_4, %dma_wait3A_298] : memref<12x416x768xf32, #tpu.memory_space<hbm>> -> memref<1x16x768xf32, #tpu.memory_space<hbm>>
        %dma_wait3A_300 = tpu.memref_squeeze %dma_wait3A_299 : memref<1x16x768xf32, #tpu.memory_space<hbm>> -> memref<16x768xf32, #tpu.memory_space<hbm>>
        tpu.wait_dma2 semaphore(%run_scoped3A_288 : memref<!tpu.dma_semaphore, #tpu.memory_space<semaphore_mem>>) src(%arg10 : memref<16x768xf32, #tpu.memory_space<vmem>>) dst(%dma_wait3A_300 : memref<16x768xf32, #tpu.memory_space<hbm>>)
        tpu.yield
      }) : () -> ()
    } else {
    }
    return
  }
}

module attributes {stable_mosaic.version = 14 : i64} {
  func.func @_topk_idx_kernel(%arg0: memref<12x2048xf32, #tpu.memory_space<vmem>>, %arg1: memref<2048x12xf32, #tpu.memory_space<vmem>>, %arg2: memref<1x512xi32, #tpu.memory_space<vmem>>) attributes {dimension_semantics = [], scalar_prefetch = 0 : i64, scratch_operands = 0 : i64, tpu.core_type = #tpu.core_type<tc>} {
    %get3A = arith.constant 0 : index
    %get3A_0 = arith.constant 0 : index
    %get3A_1 = vector.load %arg0[%get3A, %get3A_0] : memref<12x2048xf32, #tpu.memory_space<vmem>>, vector<12x2048xf32>
    %reduce_sum3A = arith.constant dense<0.000000e+00> : vector<2048xf32>
    %reduce_sum3A_2 = vector.multi_reduction <add>, %get3A_1, %reduce_sum3A [0] : vector<12x2048xf32> to vector<2048xf32>
    %broadcast_in_dim3A = vector.shape_cast %reduce_sum3A_2 : vector<2048xf32> to vector<1x2048xf32>
    %div3A = arith.constant 1.200000e+01 : f32
    %div3A_3 = vector.broadcast %div3A : f32 to vector<1x2048xf32>
    %div3A_4 = arith.divf %broadcast_in_dim3A, %div3A_3 : vector<1x2048xf32>
    %get3A_5 = arith.constant 0 : index
    %get3A_6 = arith.constant 0 : index
    %get3A_7 = vector.load %arg1[%get3A_5, %get3A_6] : memref<2048x12xf32, #tpu.memory_space<vmem>>, vector<2048x12xf32>
    %reduce_sum3A_8 = arith.constant dense<0.000000e+00> : vector<2048xf32>
    %reduce_sum3A_9 = vector.multi_reduction <add>, %get3A_7, %reduce_sum3A_8 [1] : vector<2048x12xf32> to vector<2048xf32>
    %broadcast_in_dim3A_10 = vector.shape_cast %reduce_sum3A_9 : vector<2048xf32> to vector<2048x1xf32>
    %div3A_11 = arith.constant 1.200000e+01 : f32
    %div3A_12 = vector.broadcast %div3A_11 : f32 to vector<2048x1xf32>
    %div3A_13 = arith.divf %broadcast_in_dim3A_10, %div3A_12 : vector<2048x1xf32>
    %iota3A = tpu.iota {dimensions = array<i32: 0>} : vector<2048x128xi32>
    %broadcast_in_dim3A_14 = arith.constant 0 : i32
    %broadcast_in_dim3A_15 = vector.broadcast %broadcast_in_dim3A_14 : i32 to vector<2048x1xi32>
    %slice3A = vector.extract_strided_slice %div3A_4 {offsets = [0, 0], sizes = [1, 128], strides = [1, 1]} : vector<1x2048xf32> to vector<1x128xf32>
    %iota3A_16 = tpu.iota {dimensions = array<i32: 1>} : vector<2048x128xi32>
    %add3A = arith.constant 0 : i32
    %add3A_17 = vector.broadcast %add3A : i32 to vector<2048x128xi32>
    %add3A_18 = arith.addi %iota3A_16, %add3A_17 : vector<2048x128xi32>
    %gt3A = vector.broadcast %slice3A : vector<1x128xf32> to vector<2048x128xf32>
    %gt3A_19 = vector.broadcast %div3A_13 : vector<2048x1xf32> to vector<2048x128xf32>
    %gt3A_20 = arith.cmpf ogt, %gt3A, %gt3A_19 : vector<2048x128xf32>
    %eq3A = vector.broadcast %slice3A : vector<1x128xf32> to vector<2048x128xf32>
    %eq3A_21 = vector.broadcast %div3A_13 : vector<2048x1xf32> to vector<2048x128xf32>
    %eq3A_22 = arith.cmpf oeq, %eq3A, %eq3A_21 : vector<2048x128xf32>
    %lt3A = arith.cmpi slt, %add3A_18, %iota3A : vector<2048x128xi32>
    %and3A = arith.andi %eq3A_22, %lt3A : vector<2048x128xi1>
    %or3A = arith.ori %gt3A_20, %and3A : vector<2048x128xi1>
    %convert_element_type3A = arith.extui %or3A : vector<2048x128xi1> to vector<2048x128xi32>
    %reduce_sum3A_23 = arith.constant dense<0> : vector<2048xi32>
    %reduce_sum3A_24 = vector.multi_reduction <add>, %convert_element_type3A, %reduce_sum3A_23 [1] : vector<2048x128xi32> to vector<2048xi32>
    %broadcast_in_dim3A_25 = vector.shape_cast %reduce_sum3A_24 : vector<2048xi32> to vector<2048x1xi32>
    %add3A_26 = arith.addi %broadcast_in_dim3A_15, %broadcast_in_dim3A_25 : vector<2048x1xi32>
    %slice3A_27 = vector.extract_strided_slice %div3A_4 {offsets = [0, 128], sizes = [1, 128], strides = [1, 1]} : vector<1x2048xf32> to vector<1x128xf32>
    %iota3A_28 = tpu.iota {dimensions = array<i32: 1>} : vector<2048x128xi32>
    %add3A_29 = arith.constant 128 : i32
    %add3A_30 = vector.broadcast %add3A_29 : i32 to vector<2048x128xi32>
    %add3A_31 = arith.addi %iota3A_28, %add3A_30 : vector<2048x128xi32>
    %gt3A_32 = vector.broadcast %slice3A_27 : vector<1x128xf32> to vector<2048x128xf32>
    %gt3A_33 = vector.broadcast %div3A_13 : vector<2048x1xf32> to vector<2048x128xf32>
    %gt3A_34 = arith.cmpf ogt, %gt3A_32, %gt3A_33 : vector<2048x128xf32>
    %eq3A_35 = vector.broadcast %slice3A_27 : vector<1x128xf32> to vector<2048x128xf32>
    %eq3A_36 = vector.broadcast %div3A_13 : vector<2048x1xf32> to vector<2048x128xf32>
    %eq3A_37 = arith.cmpf oeq, %eq3A_35, %eq3A_36 : vector<2048x128xf32>
    %lt3A_38 = arith.cmpi slt, %add3A_31, %iota3A : vector<2048x128xi32>
    %and3A_39 = arith.andi %eq3A_37, %lt3A_38 : vector<2048x128xi1>
    %or3A_40 = arith.ori %gt3A_34, %and3A_39 : vector<2048x128xi1>
    %convert_element_type3A_41 = arith.extui %or3A_40 : vector<2048x128xi1> to vector<2048x128xi32>
    %reduce_sum3A_42 = arith.constant dense<0> : vector<2048xi32>
    %reduce_sum3A_43 = vector.multi_reduction <add>, %convert_element_type3A_41, %reduce_sum3A_42 [1] : vector<2048x128xi32> to vector<2048xi32>
    %broadcast_in_dim3A_44 = vector.shape_cast %reduce_sum3A_43 : vector<2048xi32> to vector<2048x1xi32>
    %add3A_45 = arith.addi %add3A_26, %broadcast_in_dim3A_44 : vector<2048x1xi32>
    %slice3A_46 = vector.extract_strided_slice %div3A_4 {offsets = [0, 256], sizes = [1, 128], strides = [1, 1]} : vector<1x2048xf32> to vector<1x128xf32>
    %iota3A_47 = tpu.iota {dimensions = array<i32: 1>} : vector<2048x128xi32>
    %add3A_48 = arith.constant 256 : i32
    %add3A_49 = vector.broadcast %add3A_48 : i32 to vector<2048x128xi32>
    %add3A_50 = arith.addi %iota3A_47, %add3A_49 : vector<2048x128xi32>
    %gt3A_51 = vector.broadcast %slice3A_46 : vector<1x128xf32> to vector<2048x128xf32>
    %gt3A_52 = vector.broadcast %div3A_13 : vector<2048x1xf32> to vector<2048x128xf32>
    %gt3A_53 = arith.cmpf ogt, %gt3A_51, %gt3A_52 : vector<2048x128xf32>
    %eq3A_54 = vector.broadcast %slice3A_46 : vector<1x128xf32> to vector<2048x128xf32>
    %eq3A_55 = vector.broadcast %div3A_13 : vector<2048x1xf32> to vector<2048x128xf32>
    %eq3A_56 = arith.cmpf oeq, %eq3A_54, %eq3A_55 : vector<2048x128xf32>
    %lt3A_57 = arith.cmpi slt, %add3A_50, %iota3A : vector<2048x128xi32>
    %and3A_58 = arith.andi %eq3A_56, %lt3A_57 : vector<2048x128xi1>
    %or3A_59 = arith.ori %gt3A_53, %and3A_58 : vector<2048x128xi1>
    %convert_element_type3A_60 = arith.extui %or3A_59 : vector<2048x128xi1> to vector<2048x128xi32>
    %reduce_sum3A_61 = arith.constant dense<0> : vector<2048xi32>
    %reduce_sum3A_62 = vector.multi_reduction <add>, %convert_element_type3A_60, %reduce_sum3A_61 [1] : vector<2048x128xi32> to vector<2048xi32>
    %broadcast_in_dim3A_63 = vector.shape_cast %reduce_sum3A_62 : vector<2048xi32> to vector<2048x1xi32>
    %add3A_64 = arith.addi %add3A_45, %broadcast_in_dim3A_63 : vector<2048x1xi32>
    %slice3A_65 = vector.extract_strided_slice %div3A_4 {offsets = [0, 384], sizes = [1, 128], strides = [1, 1]} : vector<1x2048xf32> to vector<1x128xf32>
    %iota3A_66 = tpu.iota {dimensions = array<i32: 1>} : vector<2048x128xi32>
    %add3A_67 = arith.constant 384 : i32
    %add3A_68 = vector.broadcast %add3A_67 : i32 to vector<2048x128xi32>
    %add3A_69 = arith.addi %iota3A_66, %add3A_68 : vector<2048x128xi32>
    %gt3A_70 = vector.broadcast %slice3A_65 : vector<1x128xf32> to vector<2048x128xf32>
    %gt3A_71 = vector.broadcast %div3A_13 : vector<2048x1xf32> to vector<2048x128xf32>
    %gt3A_72 = arith.cmpf ogt, %gt3A_70, %gt3A_71 : vector<2048x128xf32>
    %eq3A_73 = vector.broadcast %slice3A_65 : vector<1x128xf32> to vector<2048x128xf32>
    %eq3A_74 = vector.broadcast %div3A_13 : vector<2048x1xf32> to vector<2048x128xf32>
    %eq3A_75 = arith.cmpf oeq, %eq3A_73, %eq3A_74 : vector<2048x128xf32>
    %lt3A_76 = arith.cmpi slt, %add3A_69, %iota3A : vector<2048x128xi32>
    %and3A_77 = arith.andi %eq3A_75, %lt3A_76 : vector<2048x128xi1>
    %or3A_78 = arith.ori %gt3A_72, %and3A_77 : vector<2048x128xi1>
    %convert_element_type3A_79 = arith.extui %or3A_78 : vector<2048x128xi1> to vector<2048x128xi32>
    %reduce_sum3A_80 = arith.constant dense<0> : vector<2048xi32>
    %reduce_sum3A_81 = vector.multi_reduction <add>, %convert_element_type3A_79, %reduce_sum3A_80 [1] : vector<2048x128xi32> to vector<2048xi32>
    %broadcast_in_dim3A_82 = vector.shape_cast %reduce_sum3A_81 : vector<2048xi32> to vector<2048x1xi32>
    %add3A_83 = arith.addi %add3A_64, %broadcast_in_dim3A_82 : vector<2048x1xi32>
    %slice3A_84 = vector.extract_strided_slice %div3A_4 {offsets = [0, 512], sizes = [1, 128], strides = [1, 1]} : vector<1x2048xf32> to vector<1x128xf32>
    %iota3A_85 = tpu.iota {dimensions = array<i32: 1>} : vector<2048x128xi32>
    %add3A_86 = arith.constant 512 : i32
    %add3A_87 = vector.broadcast %add3A_86 : i32 to vector<2048x128xi32>
    %add3A_88 = arith.addi %iota3A_85, %add3A_87 : vector<2048x128xi32>
    %gt3A_89 = vector.broadcast %slice3A_84 : vector<1x128xf32> to vector<2048x128xf32>
    %gt3A_90 = vector.broadcast %div3A_13 : vector<2048x1xf32> to vector<2048x128xf32>
    %gt3A_91 = arith.cmpf ogt, %gt3A_89, %gt3A_90 : vector<2048x128xf32>
    %eq3A_92 = vector.broadcast %slice3A_84 : vector<1x128xf32> to vector<2048x128xf32>
    %eq3A_93 = vector.broadcast %div3A_13 : vector<2048x1xf32> to vector<2048x128xf32>
    %eq3A_94 = arith.cmpf oeq, %eq3A_92, %eq3A_93 : vector<2048x128xf32>
    %lt3A_95 = arith.cmpi slt, %add3A_88, %iota3A : vector<2048x128xi32>
    %and3A_96 = arith.andi %eq3A_94, %lt3A_95 : vector<2048x128xi1>
    %or3A_97 = arith.ori %gt3A_91, %and3A_96 : vector<2048x128xi1>
    %convert_element_type3A_98 = arith.extui %or3A_97 : vector<2048x128xi1> to vector<2048x128xi32>
    %reduce_sum3A_99 = arith.constant dense<0> : vector<2048xi32>
    %reduce_sum3A_100 = vector.multi_reduction <add>, %convert_element_type3A_98, %reduce_sum3A_99 [1] : vector<2048x128xi32> to vector<2048xi32>
    %broadcast_in_dim3A_101 = vector.shape_cast %reduce_sum3A_100 : vector<2048xi32> to vector<2048x1xi32>
    %add3A_102 = arith.addi %add3A_83, %broadcast_in_dim3A_101 : vector<2048x1xi32>
    %slice3A_103 = vector.extract_strided_slice %div3A_4 {offsets = [0, 640], sizes = [1, 128], strides = [1, 1]} : vector<1x2048xf32> to vector<1x128xf32>
    %iota3A_104 = tpu.iota {dimensions = array<i32: 1>} : vector<2048x128xi32>
    %add3A_105 = arith.constant 640 : i32
    %add3A_106 = vector.broadcast %add3A_105 : i32 to vector<2048x128xi32>
    %add3A_107 = arith.addi %iota3A_104, %add3A_106 : vector<2048x128xi32>
    %gt3A_108 = vector.broadcast %slice3A_103 : vector<1x128xf32> to vector<2048x128xf32>
    %gt3A_109 = vector.broadcast %div3A_13 : vector<2048x1xf32> to vector<2048x128xf32>
    %gt3A_110 = arith.cmpf ogt, %gt3A_108, %gt3A_109 : vector<2048x128xf32>
    %eq3A_111 = vector.broadcast %slice3A_103 : vector<1x128xf32> to vector<2048x128xf32>
    %eq3A_112 = vector.broadcast %div3A_13 : vector<2048x1xf32> to vector<2048x128xf32>
    %eq3A_113 = arith.cmpf oeq, %eq3A_111, %eq3A_112 : vector<2048x128xf32>
    %lt3A_114 = arith.cmpi slt, %add3A_107, %iota3A : vector<2048x128xi32>
    %and3A_115 = arith.andi %eq3A_113, %lt3A_114 : vector<2048x128xi1>
    %or3A_116 = arith.ori %gt3A_110, %and3A_115 : vector<2048x128xi1>
    %convert_element_type3A_117 = arith.extui %or3A_116 : vector<2048x128xi1> to vector<2048x128xi32>
    %reduce_sum3A_118 = arith.constant dense<0> : vector<2048xi32>
    %reduce_sum3A_119 = vector.multi_reduction <add>, %convert_element_type3A_117, %reduce_sum3A_118 [1] : vector<2048x128xi32> to vector<2048xi32>
    %broadcast_in_dim3A_120 = vector.shape_cast %reduce_sum3A_119 : vector<2048xi32> to vector<2048x1xi32>
    %add3A_121 = arith.addi %add3A_102, %broadcast_in_dim3A_120 : vector<2048x1xi32>
    %slice3A_122 = vector.extract_strided_slice %div3A_4 {offsets = [0, 768], sizes = [1, 128], strides = [1, 1]} : vector<1x2048xf32> to vector<1x128xf32>
    %iota3A_123 = tpu.iota {dimensions = array<i32: 1>} : vector<2048x128xi32>
    %add3A_124 = arith.constant 768 : i32
    %add3A_125 = vector.broadcast %add3A_124 : i32 to vector<2048x128xi32>
    %add3A_126 = arith.addi %iota3A_123, %add3A_125 : vector<2048x128xi32>
    %gt3A_127 = vector.broadcast %slice3A_122 : vector<1x128xf32> to vector<2048x128xf32>
    %gt3A_128 = vector.broadcast %div3A_13 : vector<2048x1xf32> to vector<2048x128xf32>
    %gt3A_129 = arith.cmpf ogt, %gt3A_127, %gt3A_128 : vector<2048x128xf32>
    %eq3A_130 = vector.broadcast %slice3A_122 : vector<1x128xf32> to vector<2048x128xf32>
    %eq3A_131 = vector.broadcast %div3A_13 : vector<2048x1xf32> to vector<2048x128xf32>
    %eq3A_132 = arith.cmpf oeq, %eq3A_130, %eq3A_131 : vector<2048x128xf32>
    %lt3A_133 = arith.cmpi slt, %add3A_126, %iota3A : vector<2048x128xi32>
    %and3A_134 = arith.andi %eq3A_132, %lt3A_133 : vector<2048x128xi1>
    %or3A_135 = arith.ori %gt3A_129, %and3A_134 : vector<2048x128xi1>
    %convert_element_type3A_136 = arith.extui %or3A_135 : vector<2048x128xi1> to vector<2048x128xi32>
    %reduce_sum3A_137 = arith.constant dense<0> : vector<2048xi32>
    %reduce_sum3A_138 = vector.multi_reduction <add>, %convert_element_type3A_136, %reduce_sum3A_137 [1] : vector<2048x128xi32> to vector<2048xi32>
    %broadcast_in_dim3A_139 = vector.shape_cast %reduce_sum3A_138 : vector<2048xi32> to vector<2048x1xi32>
    %add3A_140 = arith.addi %add3A_121, %broadcast_in_dim3A_139 : vector<2048x1xi32>
    %slice3A_141 = vector.extract_strided_slice %div3A_4 {offsets = [0, 896], sizes = [1, 128], strides = [1, 1]} : vector<1x2048xf32> to vector<1x128xf32>
    %iota3A_142 = tpu.iota {dimensions = array<i32: 1>} : vector<2048x128xi32>
    %add3A_143 = arith.constant 896 : i32
    %add3A_144 = vector.broadcast %add3A_143 : i32 to vector<2048x128xi32>
    %add3A_145 = arith.addi %iota3A_142, %add3A_144 : vector<2048x128xi32>
    %gt3A_146 = vector.broadcast %slice3A_141 : vector<1x128xf32> to vector<2048x128xf32>
    %gt3A_147 = vector.broadcast %div3A_13 : vector<2048x1xf32> to vector<2048x128xf32>
    %gt3A_148 = arith.cmpf ogt, %gt3A_146, %gt3A_147 : vector<2048x128xf32>
    %eq3A_149 = vector.broadcast %slice3A_141 : vector<1x128xf32> to vector<2048x128xf32>
    %eq3A_150 = vector.broadcast %div3A_13 : vector<2048x1xf32> to vector<2048x128xf32>
    %eq3A_151 = arith.cmpf oeq, %eq3A_149, %eq3A_150 : vector<2048x128xf32>
    %lt3A_152 = arith.cmpi slt, %add3A_145, %iota3A : vector<2048x128xi32>
    %and3A_153 = arith.andi %eq3A_151, %lt3A_152 : vector<2048x128xi1>
    %or3A_154 = arith.ori %gt3A_148, %and3A_153 : vector<2048x128xi1>
    %convert_element_type3A_155 = arith.extui %or3A_154 : vector<2048x128xi1> to vector<2048x128xi32>
    %reduce_sum3A_156 = arith.constant dense<0> : vector<2048xi32>
    %reduce_sum3A_157 = vector.multi_reduction <add>, %convert_element_type3A_155, %reduce_sum3A_156 [1] : vector<2048x128xi32> to vector<2048xi32>
    %broadcast_in_dim3A_158 = vector.shape_cast %reduce_sum3A_157 : vector<2048xi32> to vector<2048x1xi32>
    %add3A_159 = arith.addi %add3A_140, %broadcast_in_dim3A_158 : vector<2048x1xi32>
    %slice3A_160 = vector.extract_strided_slice %div3A_4 {offsets = [0, 1024], sizes = [1, 128], strides = [1, 1]} : vector<1x2048xf32> to vector<1x128xf32>
    %iota3A_161 = tpu.iota {dimensions = array<i32: 1>} : vector<2048x128xi32>
    %add3A_162 = arith.constant 1024 : i32
    %add3A_163 = vector.broadcast %add3A_162 : i32 to vector<2048x128xi32>
    %add3A_164 = arith.addi %iota3A_161, %add3A_163 : vector<2048x128xi32>
    %gt3A_165 = vector.broadcast %slice3A_160 : vector<1x128xf32> to vector<2048x128xf32>
    %gt3A_166 = vector.broadcast %div3A_13 : vector<2048x1xf32> to vector<2048x128xf32>
    %gt3A_167 = arith.cmpf ogt, %gt3A_165, %gt3A_166 : vector<2048x128xf32>
    %eq3A_168 = vector.broadcast %slice3A_160 : vector<1x128xf32> to vector<2048x128xf32>
    %eq3A_169 = vector.broadcast %div3A_13 : vector<2048x1xf32> to vector<2048x128xf32>
    %eq3A_170 = arith.cmpf oeq, %eq3A_168, %eq3A_169 : vector<2048x128xf32>
    %lt3A_171 = arith.cmpi slt, %add3A_164, %iota3A : vector<2048x128xi32>
    %and3A_172 = arith.andi %eq3A_170, %lt3A_171 : vector<2048x128xi1>
    %or3A_173 = arith.ori %gt3A_167, %and3A_172 : vector<2048x128xi1>
    %convert_element_type3A_174 = arith.extui %or3A_173 : vector<2048x128xi1> to vector<2048x128xi32>
    %reduce_sum3A_175 = arith.constant dense<0> : vector<2048xi32>
    %reduce_sum3A_176 = vector.multi_reduction <add>, %convert_element_type3A_174, %reduce_sum3A_175 [1] : vector<2048x128xi32> to vector<2048xi32>
    %broadcast_in_dim3A_177 = vector.shape_cast %reduce_sum3A_176 : vector<2048xi32> to vector<2048x1xi32>
    %add3A_178 = arith.addi %add3A_159, %broadcast_in_dim3A_177 : vector<2048x1xi32>
    %slice3A_179 = vector.extract_strided_slice %div3A_4 {offsets = [0, 1152], sizes = [1, 128], strides = [1, 1]} : vector<1x2048xf32> to vector<1x128xf32>
    %iota3A_180 = tpu.iota {dimensions = array<i32: 1>} : vector<2048x128xi32>
    %add3A_181 = arith.constant 1152 : i32
    %add3A_182 = vector.broadcast %add3A_181 : i32 to vector<2048x128xi32>
    %add3A_183 = arith.addi %iota3A_180, %add3A_182 : vector<2048x128xi32>
    %gt3A_184 = vector.broadcast %slice3A_179 : vector<1x128xf32> to vector<2048x128xf32>
    %gt3A_185 = vector.broadcast %div3A_13 : vector<2048x1xf32> to vector<2048x128xf32>
    %gt3A_186 = arith.cmpf ogt, %gt3A_184, %gt3A_185 : vector<2048x128xf32>
    %eq3A_187 = vector.broadcast %slice3A_179 : vector<1x128xf32> to vector<2048x128xf32>
    %eq3A_188 = vector.broadcast %div3A_13 : vector<2048x1xf32> to vector<2048x128xf32>
    %eq3A_189 = arith.cmpf oeq, %eq3A_187, %eq3A_188 : vector<2048x128xf32>
    %lt3A_190 = arith.cmpi slt, %add3A_183, %iota3A : vector<2048x128xi32>
    %and3A_191 = arith.andi %eq3A_189, %lt3A_190 : vector<2048x128xi1>
    %or3A_192 = arith.ori %gt3A_186, %and3A_191 : vector<2048x128xi1>
    %convert_element_type3A_193 = arith.extui %or3A_192 : vector<2048x128xi1> to vector<2048x128xi32>
    %reduce_sum3A_194 = arith.constant dense<0> : vector<2048xi32>
    %reduce_sum3A_195 = vector.multi_reduction <add>, %convert_element_type3A_193, %reduce_sum3A_194 [1] : vector<2048x128xi32> to vector<2048xi32>
    %broadcast_in_dim3A_196 = vector.shape_cast %reduce_sum3A_195 : vector<2048xi32> to vector<2048x1xi32>
    %add3A_197 = arith.addi %add3A_178, %broadcast_in_dim3A_196 : vector<2048x1xi32>
    %slice3A_198 = vector.extract_strided_slice %div3A_4 {offsets = [0, 1280], sizes = [1, 128], strides = [1, 1]} : vector<1x2048xf32> to vector<1x128xf32>
    %iota3A_199 = tpu.iota {dimensions = array<i32: 1>} : vector<2048x128xi32>
    %add3A_200 = arith.constant 1280 : i32
    %add3A_201 = vector.broadcast %add3A_200 : i32 to vector<2048x128xi32>
    %add3A_202 = arith.addi %iota3A_199, %add3A_201 : vector<2048x128xi32>
    %gt3A_203 = vector.broadcast %slice3A_198 : vector<1x128xf32> to vector<2048x128xf32>
    %gt3A_204 = vector.broadcast %div3A_13 : vector<2048x1xf32> to vector<2048x128xf32>
    %gt3A_205 = arith.cmpf ogt, %gt3A_203, %gt3A_204 : vector<2048x128xf32>
    %eq3A_206 = vector.broadcast %slice3A_198 : vector<1x128xf32> to vector<2048x128xf32>
    %eq3A_207 = vector.broadcast %div3A_13 : vector<2048x1xf32> to vector<2048x128xf32>
    %eq3A_208 = arith.cmpf oeq, %eq3A_206, %eq3A_207 : vector<2048x128xf32>
    %lt3A_209 = arith.cmpi slt, %add3A_202, %iota3A : vector<2048x128xi32>
    %and3A_210 = arith.andi %eq3A_208, %lt3A_209 : vector<2048x128xi1>
    %or3A_211 = arith.ori %gt3A_205, %and3A_210 : vector<2048x128xi1>
    %convert_element_type3A_212 = arith.extui %or3A_211 : vector<2048x128xi1> to vector<2048x128xi32>
    %reduce_sum3A_213 = arith.constant dense<0> : vector<2048xi32>
    %reduce_sum3A_214 = vector.multi_reduction <add>, %convert_element_type3A_212, %reduce_sum3A_213 [1] : vector<2048x128xi32> to vector<2048xi32>
    %broadcast_in_dim3A_215 = vector.shape_cast %reduce_sum3A_214 : vector<2048xi32> to vector<2048x1xi32>
    %add3A_216 = arith.addi %add3A_197, %broadcast_in_dim3A_215 : vector<2048x1xi32>
    %slice3A_217 = vector.extract_strided_slice %div3A_4 {offsets = [0, 1408], sizes = [1, 128], strides = [1, 1]} : vector<1x2048xf32> to vector<1x128xf32>
    %iota3A_218 = tpu.iota {dimensions = array<i32: 1>} : vector<2048x128xi32>
    %add3A_219 = arith.constant 1408 : i32
    %add3A_220 = vector.broadcast %add3A_219 : i32 to vector<2048x128xi32>
    %add3A_221 = arith.addi %iota3A_218, %add3A_220 : vector<2048x128xi32>
    %gt3A_222 = vector.broadcast %slice3A_217 : vector<1x128xf32> to vector<2048x128xf32>
    %gt3A_223 = vector.broadcast %div3A_13 : vector<2048x1xf32> to vector<2048x128xf32>
    %gt3A_224 = arith.cmpf ogt, %gt3A_222, %gt3A_223 : vector<2048x128xf32>
    %eq3A_225 = vector.broadcast %slice3A_217 : vector<1x128xf32> to vector<2048x128xf32>
    %eq3A_226 = vector.broadcast %div3A_13 : vector<2048x1xf32> to vector<2048x128xf32>
    %eq3A_227 = arith.cmpf oeq, %eq3A_225, %eq3A_226 : vector<2048x128xf32>
    %lt3A_228 = arith.cmpi slt, %add3A_221, %iota3A : vector<2048x128xi32>
    %and3A_229 = arith.andi %eq3A_227, %lt3A_228 : vector<2048x128xi1>
    %or3A_230 = arith.ori %gt3A_224, %and3A_229 : vector<2048x128xi1>
    %convert_element_type3A_231 = arith.extui %or3A_230 : vector<2048x128xi1> to vector<2048x128xi32>
    %reduce_sum3A_232 = arith.constant dense<0> : vector<2048xi32>
    %reduce_sum3A_233 = vector.multi_reduction <add>, %convert_element_type3A_231, %reduce_sum3A_232 [1] : vector<2048x128xi32> to vector<2048xi32>
    %broadcast_in_dim3A_234 = vector.shape_cast %reduce_sum3A_233 : vector<2048xi32> to vector<2048x1xi32>
    %add3A_235 = arith.addi %add3A_216, %broadcast_in_dim3A_234 : vector<2048x1xi32>
    %slice3A_236 = vector.extract_strided_slice %div3A_4 {offsets = [0, 1536], sizes = [1, 128], strides = [1, 1]} : vector<1x2048xf32> to vector<1x128xf32>
    %iota3A_237 = tpu.iota {dimensions = array<i32: 1>} : vector<2048x128xi32>
    %add3A_238 = arith.constant 1536 : i32
    %add3A_239 = vector.broadcast %add3A_238 : i32 to vector<2048x128xi32>
    %add3A_240 = arith.addi %iota3A_237, %add3A_239 : vector<2048x128xi32>
    %gt3A_241 = vector.broadcast %slice3A_236 : vector<1x128xf32> to vector<2048x128xf32>
    %gt3A_242 = vector.broadcast %div3A_13 : vector<2048x1xf32> to vector<2048x128xf32>
    %gt3A_243 = arith.cmpf ogt, %gt3A_241, %gt3A_242 : vector<2048x128xf32>
    %eq3A_244 = vector.broadcast %slice3A_236 : vector<1x128xf32> to vector<2048x128xf32>
    %eq3A_245 = vector.broadcast %div3A_13 : vector<2048x1xf32> to vector<2048x128xf32>
    %eq3A_246 = arith.cmpf oeq, %eq3A_244, %eq3A_245 : vector<2048x128xf32>
    %lt3A_247 = arith.cmpi slt, %add3A_240, %iota3A : vector<2048x128xi32>
    %and3A_248 = arith.andi %eq3A_246, %lt3A_247 : vector<2048x128xi1>
    %or3A_249 = arith.ori %gt3A_243, %and3A_248 : vector<2048x128xi1>
    %convert_element_type3A_250 = arith.extui %or3A_249 : vector<2048x128xi1> to vector<2048x128xi32>
    %reduce_sum3A_251 = arith.constant dense<0> : vector<2048xi32>
    %reduce_sum3A_252 = vector.multi_reduction <add>, %convert_element_type3A_250, %reduce_sum3A_251 [1] : vector<2048x128xi32> to vector<2048xi32>
    %broadcast_in_dim3A_253 = vector.shape_cast %reduce_sum3A_252 : vector<2048xi32> to vector<2048x1xi32>
    %add3A_254 = arith.addi %add3A_235, %broadcast_in_dim3A_253 : vector<2048x1xi32>
    %slice3A_255 = vector.extract_strided_slice %div3A_4 {offsets = [0, 1664], sizes = [1, 128], strides = [1, 1]} : vector<1x2048xf32> to vector<1x128xf32>
    %iota3A_256 = tpu.iota {dimensions = array<i32: 1>} : vector<2048x128xi32>
    %add3A_257 = arith.constant 1664 : i32
    %add3A_258 = vector.broadcast %add3A_257 : i32 to vector<2048x128xi32>
    %add3A_259 = arith.addi %iota3A_256, %add3A_258 : vector<2048x128xi32>
    %gt3A_260 = vector.broadcast %slice3A_255 : vector<1x128xf32> to vector<2048x128xf32>
    %gt3A_261 = vector.broadcast %div3A_13 : vector<2048x1xf32> to vector<2048x128xf32>
    %gt3A_262 = arith.cmpf ogt, %gt3A_260, %gt3A_261 : vector<2048x128xf32>
    %eq3A_263 = vector.broadcast %slice3A_255 : vector<1x128xf32> to vector<2048x128xf32>
    %eq3A_264 = vector.broadcast %div3A_13 : vector<2048x1xf32> to vector<2048x128xf32>
    %eq3A_265 = arith.cmpf oeq, %eq3A_263, %eq3A_264 : vector<2048x128xf32>
    %lt3A_266 = arith.cmpi slt, %add3A_259, %iota3A : vector<2048x128xi32>
    %and3A_267 = arith.andi %eq3A_265, %lt3A_266 : vector<2048x128xi1>
    %or3A_268 = arith.ori %gt3A_262, %and3A_267 : vector<2048x128xi1>
    %convert_element_type3A_269 = arith.extui %or3A_268 : vector<2048x128xi1> to vector<2048x128xi32>
    %reduce_sum3A_270 = arith.constant dense<0> : vector<2048xi32>
    %reduce_sum3A_271 = vector.multi_reduction <add>, %convert_element_type3A_269, %reduce_sum3A_270 [1] : vector<2048x128xi32> to vector<2048xi32>
    %broadcast_in_dim3A_272 = vector.shape_cast %reduce_sum3A_271 : vector<2048xi32> to vector<2048x1xi32>
    %add3A_273 = arith.addi %add3A_254, %broadcast_in_dim3A_272 : vector<2048x1xi32>
    %slice3A_274 = vector.extract_strided_slice %div3A_4 {offsets = [0, 1792], sizes = [1, 128], strides = [1, 1]} : vector<1x2048xf32> to vector<1x128xf32>
    %iota3A_275 = tpu.iota {dimensions = array<i32: 1>} : vector<2048x128xi32>
    %add3A_276 = arith.constant 1792 : i32
    %add3A_277 = vector.broadcast %add3A_276 : i32 to vector<2048x128xi32>
    %add3A_278 = arith.addi %iota3A_275, %add3A_277 : vector<2048x128xi32>
    %gt3A_279 = vector.broadcast %slice3A_274 : vector<1x128xf32> to vector<2048x128xf32>
    %gt3A_280 = vector.broadcast %div3A_13 : vector<2048x1xf32> to vector<2048x128xf32>
    %gt3A_281 = arith.cmpf ogt, %gt3A_279, %gt3A_280 : vector<2048x128xf32>
    %eq3A_282 = vector.broadcast %slice3A_274 : vector<1x128xf32> to vector<2048x128xf32>
    %eq3A_283 = vector.broadcast %div3A_13 : vector<2048x1xf32> to vector<2048x128xf32>
    %eq3A_284 = arith.cmpf oeq, %eq3A_282, %eq3A_283 : vector<2048x128xf32>
    %lt3A_285 = arith.cmpi slt, %add3A_278, %iota3A : vector<2048x128xi32>
    %and3A_286 = arith.andi %eq3A_284, %lt3A_285 : vector<2048x128xi1>
    %or3A_287 = arith.ori %gt3A_281, %and3A_286 : vector<2048x128xi1>
    %convert_element_type3A_288 = arith.extui %or3A_287 : vector<2048x128xi1> to vector<2048x128xi32>
    %reduce_sum3A_289 = arith.constant dense<0> : vector<2048xi32>
    %reduce_sum3A_290 = vector.multi_reduction <add>, %convert_element_type3A_288, %reduce_sum3A_289 [1] : vector<2048x128xi32> to vector<2048xi32>
    %broadcast_in_dim3A_291 = vector.shape_cast %reduce_sum3A_290 : vector<2048xi32> to vector<2048x1xi32>
    %add3A_292 = arith.addi %add3A_273, %broadcast_in_dim3A_291 : vector<2048x1xi32>
    %slice3A_293 = vector.extract_strided_slice %div3A_4 {offsets = [0, 1920], sizes = [1, 128], strides = [1, 1]} : vector<1x2048xf32> to vector<1x128xf32>
    %iota3A_294 = tpu.iota {dimensions = array<i32: 1>} : vector<2048x128xi32>
    %add3A_295 = arith.constant 1920 : i32
    %add3A_296 = vector.broadcast %add3A_295 : i32 to vector<2048x128xi32>
    %add3A_297 = arith.addi %iota3A_294, %add3A_296 : vector<2048x128xi32>
    %gt3A_298 = vector.broadcast %slice3A_293 : vector<1x128xf32> to vector<2048x128xf32>
    %gt3A_299 = vector.broadcast %div3A_13 : vector<2048x1xf32> to vector<2048x128xf32>
    %gt3A_300 = arith.cmpf ogt, %gt3A_298, %gt3A_299 : vector<2048x128xf32>
    %eq3A_301 = vector.broadcast %slice3A_293 : vector<1x128xf32> to vector<2048x128xf32>
    %eq3A_302 = vector.broadcast %div3A_13 : vector<2048x1xf32> to vector<2048x128xf32>
    %eq3A_303 = arith.cmpf oeq, %eq3A_301, %eq3A_302 : vector<2048x128xf32>
    %lt3A_304 = arith.cmpi slt, %add3A_297, %iota3A : vector<2048x128xi32>
    %and3A_305 = arith.andi %eq3A_303, %lt3A_304 : vector<2048x128xi1>
    %or3A_306 = arith.ori %gt3A_300, %and3A_305 : vector<2048x128xi1>
    %convert_element_type3A_307 = arith.extui %or3A_306 : vector<2048x128xi1> to vector<2048x128xi32>
    %reduce_sum3A_308 = arith.constant dense<0> : vector<2048xi32>
    %reduce_sum3A_309 = vector.multi_reduction <add>, %convert_element_type3A_307, %reduce_sum3A_308 [1] : vector<2048x128xi32> to vector<2048xi32>
    %broadcast_in_dim3A_310 = vector.shape_cast %reduce_sum3A_309 : vector<2048xi32> to vector<2048x1xi32>
    %add3A_311 = arith.addi %add3A_292, %broadcast_in_dim3A_310 : vector<2048x1xi32>
    %iota3A_312 = tpu.iota {dimensions = array<i32: 1>} : vector<2048x512xi32>
    %iota3A_313 = tpu.iota {dimensions = array<i32: 0>} : vector<2048x512xi32>
    %eq3A_314 = vector.broadcast %add3A_311 : vector<2048x1xi32> to vector<2048x512xi32>
    %eq3A_315 = arith.cmpi eq, %eq3A_314, %iota3A_312 : vector<2048x512xi32>
    %jit3A = arith.constant 0 : i32
    %broadcast_in_dim3A_316 = vector.broadcast %jit3A : i32 to vector<2048x512xi32>
    %select_n3A = arith.select %eq3A_315, %iota3A_313, %broadcast_in_dim3A_316 : vector<2048x512xi1>, vector<2048x512xi32>
    %reduce_sum3A_317 = arith.constant dense<0> : vector<512xi32>
    %reduce_sum3A_318 = vector.multi_reduction <add>, %select_n3A, %reduce_sum3A_317 [0] : vector<2048x512xi32> to vector<512xi32>
    %broadcast_in_dim3A_319 = vector.shape_cast %reduce_sum3A_318 : vector<512xi32> to vector<1x512xi32>
    %swap3A = arith.constant 0 : index
    %swap3A_320 = arith.constant 0 : index
    %swap3A_321 = vector.load %arg2[%swap3A, %swap3A_320] : memref<1x512xi32, #tpu.memory_space<vmem>>, vector<1x512xi32>
    tpu.vector_store %arg2[%swap3A, %swap3A_320], %broadcast_in_dim3A_319 {strides = array<i32>} : memref<1x512xi32, #tpu.memory_space<vmem>>, vector<1x512xi32>,
    return
  }
}

module attributes {stable_mosaic.version = 14 : i64} {
  func.func @_fuse_head_kernel(%arg0: i32, %arg1: memref<1x416x768xf32, #tpu.memory_space<vmem>>, %arg2: memref<1x416x768xf32, #tpu.memory_space<vmem>>, %arg3: memref<768x768xf32, #tpu.memory_space<vmem>>, %arg4: memref<1x768xf32, #tpu.memory_space<vmem>>, %arg5: memref<768x1000xf32, #tpu.memory_space<vmem>>, %arg6: memref<1x1000xf32, #tpu.memory_space<vmem>>, %arg7: memref<1x768xf32, #tpu.memory_space<vmem>>) attributes {dimension_semantics = [#tpu.dimension_semantics<arbitrary>], iteration_bounds = array<i64: 12>, scalar_prefetch = 0 : i64, scratch_operands = 1 : i64, tpu.core_type = #tpu.core_type<tc>, window_params = [{transform_indices = @transform_0, window_bounds = array<i64: 1, 416, 768>}, {transform_indices = @transform_1, window_bounds = array<i64: 1, 416, 768>}, {pipeline_mode = #tpu.pipeline_mode<synchronous>, transform_indices = @transform_2, window_bounds = array<i64: 768, 768>}, {pipeline_mode = #tpu.pipeline_mode<synchronous>, transform_indices = @transform_3, window_bounds = array<i64: 1, 768>}, {pipeline_mode = #tpu.pipeline_mode<synchronous>, transform_indices = @transform_4, window_bounds = array<i64: 768, 1000>}, {pipeline_mode = #tpu.pipeline_mode<synchronous>, transform_indices = @transform_5, window_bounds = array<i64: 1, 1000>}]} {
    %get3A = arith.constant 0 : index
    %get3A_0 = arith.constant 0 : index
    %get3A_1 = arith.constant 0 : index
    %get3A_2 = vector.load %arg1[%get3A, %get3A_0, %get3A_1] : memref<1x416x768xf32, #tpu.memory_space<vmem>>, vector<1x416x768xf32>
    %get3A_3 = vector.shape_cast %get3A_2 : vector<1x416x768xf32> to vector<416x768xf32>
    %get3A_4 = arith.constant 0 : index
    %get3A_5 = arith.constant 0 : index
    %get3A_6 = arith.constant 0 : index
    %get3A_7 = vector.load %arg2[%get3A_4, %get3A_5, %get3A_6] : memref<1x416x768xf32, #tpu.memory_space<vmem>>, vector<1x416x768xf32>
    %get3A_8 = vector.shape_cast %get3A_7 : vector<1x416x768xf32> to vector<416x768xf32>
    %add3A = arith.addf %get3A_3, %get3A_8 : vector<416x768xf32>
    %get3A_9 = arith.constant 0 : index
    %get3A_10 = arith.constant 0 : index
    %get3A_11 = vector.load %arg3[%get3A_9, %get3A_10] : memref<768x768xf32, #tpu.memory_space<vmem>>, vector<768x768xf32>
    %dot_general3A = arith.constant dense<0.000000e+00> : vector<416x768xf32>
    %dot_general3A_12 = tpu.matmul %add3A, %get3A_11, %dot_general3A {dimension_numbers = #tpu.dot_dimension_numbers<[1], [0], [0], [1], [0, 0, 1, 1], [], []>, transpose_lhs_hint = false} : vector<416x768xf32>, vector<768x768xf32>, vector<416x768xf32> -> vector<416x768xf32>
    %tanh3A = math.tanh %dot_general3A_12 : vector<416x768xf32>
    %iota3A = tpu.iota {dimensions = array<i32: 0>} : vector<416x768xi32>
    %lt3A = arith.constant 409 : i32
    %lt3A_13 = vector.broadcast %lt3A : i32 to vector<416x768xi32>
    %lt3A_14 = arith.cmpi slt, %iota3A, %lt3A_13 : vector<416x768xi32>
    %jit3A = arith.constant 0.000000e+00 : f32
    %broadcast_in_dim3A = vector.broadcast %jit3A : f32 to vector<416x768xf32>
    %select_n3A = arith.select %lt3A_14, %tanh3A, %broadcast_in_dim3A : vector<416x768xi1>, vector<416x768xf32>
    %reduce_sum3A = arith.constant dense<0.000000e+00> : vector<768xf32>
    %reduce_sum3A_15 = vector.multi_reduction <add>, %select_n3A, %reduce_sum3A [0] : vector<416x768xf32> to vector<768xf32>
    %broadcast_in_dim3A_16 = vector.shape_cast %reduce_sum3A_15 : vector<768xf32> to vector<1x768xf32>
    %eq3A = arith.constant 0 : i32
    %eq3A_17 = arith.cmpi eq, %arg0, %eq3A : i32
    %convert_element_type3A = arith.extui %eq3A_17 : i1 to i32
    %cond3A = arith.constant 0 : i32
    %cond3A_18 = arith.cmpi ne, %convert_element_type3A, %cond3A : i32
    scf.if %cond3A_18 {
      %swap3A = arith.constant 0 : index
      %swap3A_28 = arith.constant 0 : index
      %swap3A_29 = vector.load %arg7[%swap3A, %swap3A_28] : memref<1x768xf32, #tpu.memory_space<vmem>>, vector<1x768xf32>
      tpu.vector_store %arg7[%swap3A, %swap3A_28], %broadcast_in_dim3A_16 {strides = array<i32>} : memref<1x768xf32, #tpu.memory_space<vmem>>, vector<1x768xf32>,
    } else {
    }
    %gt3A = arith.constant 0 : i32
    %gt3A_19 = arith.cmpi sgt, %arg0, %gt3A : i32
    %convert_element_type3A_20 = arith.extui %gt3A_19 : i1 to i32
    %cond3A_21 = arith.constant 0 : i32
    %cond3A_22 = arith.cmpi ne, %convert_element_type3A_20, %cond3A_21 : i32
    scf.if %cond3A_22 {
      %get3A_28 = arith.constant 0 : index
      %get3A_29 = arith.constant 0 : index
      %get3A_30 = vector.load %arg7[%get3A_28, %get3A_29] : memref<1x768xf32, #tpu.memory_space<vmem>>, vector<1x768xf32>
      %add3A_31 = arith.addf %get3A_30, %broadcast_in_dim3A_16 : vector<1x768xf32>
      %swap3A = arith.constant 0 : index
      %swap3A_32 = arith.constant 0 : index
      %swap3A_33 = vector.load %arg7[%swap3A, %swap3A_32] : memref<1x768xf32, #tpu.memory_space<vmem>>, vector<1x768xf32>
      tpu.vector_store %arg7[%swap3A, %swap3A_32], %add3A_31 {strides = array<i32>} : memref<1x768xf32, #tpu.memory_space<vmem>>, vector<1x768xf32>,
    } else {
    }
    %eq3A_23 = arith.constant 11 : i32
    %eq3A_24 = arith.cmpi eq, %arg0, %eq3A_23 : i32
    %convert_element_type3A_25 = arith.extui %eq3A_24 : i1 to i32
    %cond3A_26 = arith.constant 0 : i32
    %cond3A_27 = arith.cmpi ne, %convert_element_type3A_25, %cond3A_26 : i32
    scf.if %cond3A_27 {
      %get3A_28 = arith.constant 0 : index
      %get3A_29 = arith.constant 0 : index
      %get3A_30 = vector.load %arg7[%get3A_28, %get3A_29] : memref<1x768xf32, #tpu.memory_space<vmem>>, vector<1x768xf32>
      %mul3A = arith.constant 2.03748976E-4 : f32
      %mul3A_31 = vector.broadcast %mul3A : f32 to vector<1x768xf32>
      %mul3A_32 = arith.mulf %get3A_30, %mul3A_31 : vector<1x768xf32>
      %get3A_33 = arith.constant 0 : index
      %get3A_34 = arith.constant 0 : index
      %get3A_35 = vector.load %arg4[%get3A_33, %get3A_34] : memref<1x768xf32, #tpu.memory_space<vmem>>, vector<1x768xf32>
      %add3A_36 = arith.addf %get3A_35, %mul3A_32 : vector<1x768xf32>
      %get3A_37 = arith.constant 0 : index
      %get3A_38 = arith.constant 0 : index
      %get3A_39 = vector.load %arg5[%get3A_37, %get3A_38] : memref<768x1000xf32, #tpu.memory_space<vmem>>, vector<768x1000xf32>
      %dot_general3A_40 = arith.constant dense<0.000000e+00> : vector<1x1000xf32>
      %dot_general3A_41 = tpu.matmul %add3A_36, %get3A_39, %dot_general3A_40 {dimension_numbers = #tpu.dot_dimension_numbers<[1], [0], [0], [1], [0, 0, 1, 1], [], []>, transpose_lhs_hint = false} : vector<1x768xf32>, vector<768x1000xf32>, vector<1x1000xf32> -> vector<1x1000xf32>
      %swap3A = arith.constant 0 : index
      %swap3A_42 = arith.constant 0 : index
      %swap3A_43 = vector.load %arg6[%swap3A, %swap3A_42] : memref<1x1000xf32, #tpu.memory_space<vmem>>, vector<1x1000xf32>
      tpu.vector_store %arg6[%swap3A, %swap3A_42], %dot_general3A_41 {strides = array<i32>} : memref<1x1000xf32, #tpu.memory_space<vmem>>, vector<1x1000xf32>,
    } else {
    }
    return
  }
  func.func @transform_0(%arg0: i32) -> (i32, i32, i32) {
    %c0_i32 = arith.constant 0 : i32
    %c0_i32_0 = arith.constant 0 : i32
    %c0_i32_1 = arith.constant 0 : i32
    return %arg0, %c0_i32, %c0_i32_0 : i32, i32, i32
  }
  func.func @transform_1(%arg0: i32) -> (i32, i32, i32) {
    %c0_i32 = arith.constant 0 : i32
    %c0_i32_0 = arith.constant 0 : i32
    %c0_i32_1 = arith.constant 0 : i32
    return %arg0, %c0_i32, %c0_i32_0 : i32, i32, i32
  }
  func.func @transform_2(%arg0: i32) -> (i32, i32) {
    %c0_i32 = arith.constant 0 : i32
    %c0_i32_0 = arith.constant 0 : i32
    %c0_i32_1 = arith.constant 0 : i32
    return %c0_i32, %c0_i32_0 : i32, i32
  }
  func.func @transform_3(%arg0: i32) -> (i32, i32) {
    %c0_i32 = arith.constant 0 : i32
    %c0_i32_0 = arith.constant 0 : i32
    %c0_i32_1 = arith.constant 0 : i32
    return %c0_i32, %c0_i32_0 : i32, i32
  }
  func.func @transform_4(%arg0: i32) -> (i32, i32) {
    %c0_i32 = arith.constant 0 : i32
    %c0_i32_0 = arith.constant 0 : i32
    %c0_i32_1 = arith.constant 0 : i32
    return %c0_i32, %c0_i32_0 : i32, i32
  }
  func.func @transform_5(%arg0: i32) -> (i32, i32) {
    %c0_i32 = arith.constant 0 : i32
    %c0_i32_0 = arith.constant 0 : i32
    %c0_i32_1 = arith.constant 0 : i32
    return %c0_i32, %c0_i32_0 : i32, i32
  }
}

</mosaic_0001>

<sc_bundles>
// kernel: kernel.5.cloned.1.call-start
scs
__scs_entry_jumppad:
0x0: {  	(pc) =	sbr.rel $0x88, $3  }
0x1: {  	(tag) =	ssettag $0x0;
	lr =	simm.s32 $0x1  }
0x2: {  	[smem:$0x3F9B] =	sst lr;
	_ =	strace $0xD0000000  }
0x3: {  	_ = 	snop  }
0x4: {  	_ = 	snop  }
0x5: {  	_ = 	snop  }
0x6: {  	_ = 	snop  }
0x7: {  	_ = 	snop  }
__scs_overlays_trampoline_lowered:
0x8: {  	[smem:$0x3FAA] =	sst s0  }
0x9: {  	[smem:$0x3FAB] =	sst s1  }
0xa: {  	[smem:$0x3FAC] =	sst s2  }
0xb: {  	[smem:$0x3FAD] =	sst s3  }
0xc: {  	[smem:$0x3FAE] =	sst s4  }
0xd: {  	[smem:$0x3FAF] =	sst s5  }
0xe: {  	[smem:$0x3FB0] =	sst s6  }
0xf: {  	[smem:$0x3FB1] =	sst s7  }
0x10: {  	[smem:$0x3FB2] =	sst s8  }
0x11: {  	[smem:$0x3FB3] =	sst s9;
	s0 =	simm.s32 @!p0 $0x0  }
0x12: {  	s1 =	sld [smem:$0x3F99];
	s0 =	simm.s32 @p0 $0x1  }
0x13: {  	[smem:$0x3FB4] =	sst s0;
	s0 =	simm.s32 @!p1 $0x0  }
0x14: {  	s2 =	sld [smem:$0x3F98];
	s0 =	simm.s32 @p1 $0x1  }
0x15: {  	[smem:$0x3FB5] =	sst s0;
	s0 =	simm.s32 @!p2 $0x0  }
0x16: {  	s3 =	sld [smem:$0x3FDB];
	s0 =	simm.s32 @p2 $0x1  }
0x17: {  	s4 =	simm.s32 $0x1BF5;
	[smem:$0x3FB7] =	sst s0  }
0x18: {  	s0 =	sld [smem:$0x3F9A];
	_ =	swait.ge [sflag:s4], $0x0  }
0x19: {  	s7 =	sld [smem:$0x3F9B]  }
0x1a: {  	s8 =	sadd.s32 $0xFFFFE003, lr  }
0x1b: {  	s9 =	sadd.s32 $0xFFFFFEF7, lr;
	s5 =	simm.s32 $0xFFFFFFFF;
	p2 =	slt.u32 s8, $0xFFFFF086  }
0x1c: {  	p1 =	slt.u32 s9, $0xF7A;
	s5 =	simm.s32 @!p2 $0x0  }
0x1d: {  	s5 =	simm.s32 @p1 $0x1;
	p0 =	seq.s32 s7, s2  }
0x1e: {  	s7 =	smul.u32 @!p0 $0xF7A, s2;
	p2 =	seq.s32 @!p0 s5, $0x0  }
0x1f: {  	s9 =	smul.u32 $0xF7A, s1;
	s8 =	simm.s32 @!p0 $0x1BF5;
	p2 =	por !p2, p0  }
0x20: {  	[sflag:s8] =	ssyncset.s32 @!p0 $0xFFFFF086;
	s6 =	sadd.s32 @!p0 s3, s7;
	s7 =	simm.s32 @!p0 $0x108  }
0x21: {  	s3 =	sadd.s32 s3, s9;
	s6 =	sadd.s32 @!p0 $0x88, s6;
	s7 =	simm.s32 @p2 $0x1082  }
0x22: {  	[simem:s7], [sflag:s8] =	dma.local @!p0 [hbm:s6], $0xF7A  }
0x23: {  	s9 =	sor.u32 $0xD0000000, s2;
	s6 =	simm.s32 $0x108;
	_ =	swait.ge @!p0 [sflag:s8], $0x0  }
0x24: {  	s3 =	sadd.s32 $0x88, s3;
	s6 =	simm.s32 @!p1 $0x1082;
	[sflag:s4] =	ssyncset.s32 $0xFFFFF086  }
0x25: {  	[simem:s6], [sflag:s4] =	dma.local [hbm:s3], $0xF7A  }
0x26: {  	[smem:$0x3F9B] =	sst s1;
	(tag) =	ssettag s2;
	_ =	strace s9  }
0x27: {  	s1 =	sld [smem:$0x3FAB]  }
0x28: {  	s2 =	sld [smem:$0x3FAC]  }
0x29: {  	s4 =	sld [smem:$0x3FAE]  }
0x2a: {  	p0 =	seq.s32 s5, $0x0;
	s5 =	sld [smem:$0x3FAF]  }
0x2b: {  	s6 =	sld [smem:$0x3FB0]  }
0x2c: {  	s7 =	sld [smem:$0x3FB1]  }
0x2d: {  	s3 =	simm.s32 $0x108;
	s8 =	sld [smem:$0x3FB2]  }
0x2e: {  	s3 =	simm.s32 @!p0 $0x1082;
	s9 =	sld [smem:$0x3FB3]  }
0x2f: {  	lr =	sadd.s32 s0, s3;
	s0 =	sld [smem:$0x3FAA]  }
0x30: {  	s3 =	sld [smem:$0x3FAD]  }
0x31: {  	[smem:$0x3FB6] =	sst s10  }
0x32: {  	s10 =	sld [smem:$0x3FB4];
	_ =	sdelay $0x3  }
0x33: {  	p0 =	seq.s32 s10, $0x1;
	s10 =	sld [smem:$0x3FB6];
	_ =	sdelay $0x3  }
0x34: {  	[smem:$0x3FB6] =	sst s10  }
0x35: {  	s10 =	sld [smem:$0x3FB5];
	_ =	sdelay $0x3  }
0x36: {  	p1 =	seq.s32 s10, $0x1;
	s10 =	sld [smem:$0x3FB6];
	_ =	sdelay $0x3  }
0x37: {  	[smem:$0x3FB6] =	sst s10  }
0x38: {  	s10 =	sld [smem:$0x3FB7]  }
0x39: {  	_ = 	snop;
	(pc) =	sbr.ind lr, $3  }
0x3a: {  	_ = 	snop  }
0x3b: {  	_ = 	snop  }
0x3c: {  	p2 =	seq.s32 s10, $0x1;
	s10 =	sld [smem:$0x3FB6]  }
0x3d: {  	_ =	shalt  }
0x3e: {  	_ =	shalt  }
0x3f: {  	_ =	shalt  }
0x40: {  	_ =	shalt  }
0x41: {  	_ =	shalt  }
0x42: {  	_ =	shalt  }
0x43: {  	_ =	shalt  }
0x44: {  	_ =	shalt  }
0x45: {  	_ =	shalt  }
0x46: {  	_ =	shalt  }
0x47: {  	_ =	shalt  }
0x48: {  	_ =	shalt  }
0x49: {  	_ =	shalt  }
0x4a: {  	_ =	shalt  }
0x4b: {  	_ =	shalt  }
0x4c: {  	_ =	shalt  }
0x4d: {  	_ =	shalt  }
0x4e: {  	_ =	shalt  }
0x4f: {  	_ =	shalt  }
0x50: {  	_ =	shalt  }
0x51: {  	_ =	shalt  }
0x52: {  	_ =	shalt  }
0x53: {  	_ =	shalt  }
0x54: {  	_ =	shalt  }
0x55: {  	_ =	shalt  }
0x56: {  	_ =	shalt  }
0x57: {  	_ =	shalt  }
0x58: {  	_ =	shalt  }
0x59: {  	_ =	shalt  }
0x5a: {  	_ =	shalt  }
0x5b: {  	_ =	shalt  }
0x5c: {  	_ =	shalt  }
0x5d: {  	_ =	shalt  }
0x5e: {  	_ =	shalt  }
0x5f: {  	_ =	shalt  }
0x60: {  	_ =	shalt  }
0x61: {  	_ =	shalt  }
0x62: {  	_ =	shalt  }
0x63: {  	_ =	shalt  }
0x64: {  	_ =	shalt  }
0x65: {  	_ =	shalt  }
0x66: {  	_ =	shalt  }
0x67: {  	_ =	shalt  }
0x68: {  	_ =	shalt  }
0x69: {  	_ =	shalt  }
0x6a: {  	_ =	shalt  }
0x6b: {  	_ =	shalt  }
0x6c: {  	_ =	shalt  }
0x6d: {  	_ =	shalt  }
0x6e: {  	_ =	shalt  }
0x6f: {  	_ =	shalt  }
0x70: {  	_ =	shalt  }
0x71: {  	_ =	shalt  }
0x72: {  	_ =	shalt  }
0x73: {  	_ =	shalt  }
0x74: {  	_ =	shalt  }
0x75: {  	_ =	shalt  }
0x76: {  	_ =	shalt  }
0x77: {  	_ =	shalt  }
0x78: {  	_ =	shalt  }
0x79: {  	_ =	shalt  }
0x7a: {  	_ =	shalt  }
0x7b: {  	_ =	shalt  }
0x7c: {  	_ =	shalt  }
0x7d: {  	_ =	shalt  }
0x7e: {  	_ =	shalt  }
0x7f: {  	_ =	shalt  }
0x80: {  	_ =	shalt  }
0x81: {  	_ =	shalt  }
0x82: {  	_ =	shalt  }
0x83: {  	_ =	shalt  }
0x84: {  	_ =	shalt  }
0x85: {  	_ =	shalt  }
0x86: {  	_ =	shalt  }
0x87: {  	_ =	shalt  }
.Lfunc_end0:
.L_simem_size_0:
called_computation_lowered:
.L_overlay_start_0:
0x88: {  	s2 =	sld [smem:$0x3FD9]  }
0x89: {  	s3 =	sld [smem:$0x3FFE];
	_ =	sdelay $0x1  }
0x8a: {  	s1 =	srdreg.scid  }
0x8b: {  	s0 =	sand.u32 $0x1, s1  }
0x8c: {  	s17 =	sshll.u32 s0, $0xA;
	s2 =	sadd.s32 s3, s2  }
0x8d: {  	s2 =	sadd.s32 s2, s17  }
0x8e: {  	[smem:$0x3FC2] =	sst s2  }
0x8f: {  	_ = 	snop  }
0x90: {  	s2 =	sld [smem:$0x3FD0];
	(tm) =	ssettm $0x1  }
0x91: {  	s18 =	sld [smem:$0x3FFB];
	_ =	sdelay $0x3  }
0x92: {  	_ =	strace s18  }
0x93: {  	s3 =	sld [smem:$0x3FFC];
	_ =	sdelay $0x3  }
0x94: {  	_ =	strace s3  }
0x95: {  	s3 =	sld [smem:$0x3FFD];
	_ =	sdelay $0x3  }
0x96: {  	_ =	strace s3  }
0x97: {  	_ =	strace $0x8FFFFFFF  }
0x98: {  	s19 =	sld [smem:$0x3FDB];
	_ =	sdelay $0x1  }
0x99: {  	s4 =	simm.s32 $_scs_section_size  }
0x9a: {  	s5 =	simm.s32 $_size__tile_overlayer_lowered;
	s6 =	simm.s32 $_tile_overlayer_lowered  }
0x9b: {  	s22 =	simm.s32 $0x1BFF;
	s21 =	sshll.u32 s6, $0x1;
	s3 =	sadd.s32 s4, s19  }
0x9c: {  	s7 =	simm.s32 $0x0;
	s20 =	sshll.u32 s5, $0x1;
	s5 =	sadd.s32 s21, s3  }
0x9d: {  	[timem:s7], [sflag:s22] =	dma.local [hbm:s5], s20  }
0x9e: {  	_ =	swait.ge [sflag:s22], s20  }
0x9f: {  	s4 =	ssub.s32 $0x0, s20;
	[sflag:s22] =	ssyncset.done $0x0  }
0xa0: {  	[sflag:s22] =	ssyncadd.s32 s4;
	_ =	sdelay $0x1  }
0xa1: {  	s23 =	simm.s32 $0x1B8B  }
0xa2: {  	_ =	swait.ge [sflag:s23], $0x1  }
0xa3: {  	[sflag:s23] =	ssyncset.done $0x0  }
0xa4: {  	s25 =	simm.s32 $0x1B8E;
	s24 =	sld [smem:$0x3FFE];
	[sflag:s23] =	ssyncadd.s32 $0xFFFFFFFF  }
0xa5: {  	s26 =	simm.s32 $execute0_lowered;
	[smem:$0x3FD2] =	sst s25  }
0xa6: {  	s5 =	sshll.u32 s26, $0x1;
	_ =	strace $0x80000046;
	[dreg:$0x1] =	wrdreg $0xFFFFFFFF  }
0xa7: {  	s28 =	simm.s32 $_size_execute0_lowered;
	s3 =	sadd.s32 s3, s5;
	[dreg:$0x0] =	wrdreg $0x0  }
0xa8: {  	s5 =	sshll.u32 s28, $0x1;
	[dreg:$0x2] =	wrdreg s3  }
0xa9: {  	[dreg:$0x3] =	wrdreg s5  }
0xaa: {  	[dreg:$0x4] =	wrdreg $0xC0  }
0xab: {  	_ =	task [dreg:s7], $0x5FFFF  }
0xac: {  	[dreg:$0x1] =	wrdreg $0xFFFFFFFF  }
0xad: {  	[dreg:$0x0] =	wrdreg $0x60  }
0xae: {  	[dreg:$0x2] =	wrdreg s24  }
0xaf: {  	[dreg:$0x3] =	wrdreg s2  }
0xb0: {  	[dreg:$0x4] =	wrdreg $0x9  }
0xb1: {  	_ =	task.clear_ibuf [dreg:s7], $0x5FFFF;
	_ =	strace $0x90000046  }
0xb2: {  	s29 =	simm.s32 $0x9;
	_ =	strace $0x80000048  }
0xb3: {  	_ =	swait.ge [sflag:s29], $0x1  }
0xb4: {  	[sflag:s29] =	ssyncadd.s32 $0xFFFFFFFF  }
0xb5: {  	_ =	strace $0x90000048  }
0xb6: {  	_ =	sfence  }
0xb7: {  	s30 =	sld [smem:$0x0];
	_ =	sdelay $0x2  }
0xb8: {  	s31 =	sshll.u32 s1, $0xD;
	s1 =	sshrl.u32 s1, $0x2  }
0xb9: {  	s3 =	sand.u32 $0x4000, s31;
	s1 =	sadd.s32 s1, s30  }
0xba: {  	s0 =	sor.u32 s3, s0;
	s1 =	sshll.u32 s1, $0x11  }
0xbb: {  	s0 =	sor.u32 s1, s0  }
0xbc: {  	s0 =	sadd.s32 $0x8F2B, s0  }
0xbd: {  	[sflag:s0] =	ssyncadd.remote.s32 $0x1  }
0xbe: {  	_ =	sfence.sel $0xFFFF  }
0xbf: {  	[dreg:$0x0] =	wrdreg $0xFFFFFFFF;
	(pc) =	sbr.abs _section_cstart, $3  }
0xc0: {  	[dreg:$0x1] =	wrdreg $0xFFFFFFFF  }
0xc1: {  	_ =	task.clear_ibuf [dreg:s7], $0x2FFFF;
	_ =	strace $0x9FFFFFFF  }
0xc2: {  	(tm) =	ssettm $0x7FFFFFFF  }
0xc3: {  	_ =	shalt  }
tec
execute0_lowered:
.L_overlay_start_1:
0x0: {  	(tag) =	ssettag $0x1  }
0x1: {  	s1 =	stileid.u32  }
0x2: {  	p0 =	sgt.u32 s1, $0xC  }
.Ltmp0:
0x3: {  	_ = 	snop;
	(pc) =	sbr.rel @p0 .LBB2_3-.Ltmp0, $4  }
0x4: {  	_ = 	snop  }
0x5: {  	s8 =	rddreg [dreg:$0x0];
	s2 =	simm.s32 $0x0  }
0x6: {  	[smem:$0x7FF] =	sst s2  }
0x7: {  	s0 =	rddreg [dreg:$0x1];
	_ =	strace $0x80000047  }
0x8: {  	s3 =	srdreg.scid;
	s1 =	stileid.u32  }
0x9: {  	s12 =	sand.u32 $0x1, s3;
	s26 =	sshll.u32 s1, $0x1  }
0xa: {  	s14 =	sor.u32 s12, s26  }
0xb: {  	s13 =	sadd.s32 $0xC00, s8;
	s15 =	sadd.s32 $0x75C00, s8;
	s3 =	smul.u32 $0x3000, s14  }
0xc: {  	s28 =	simm.s32 $0x4900;
	s29 =	simm.s32 $0x5100;
	s30 =	simm.s32 $0x5900  }
0xd: {  	s31 =	simm.s32 $0x1;
	s26 =	sshll.u32 s14, $0x1;
	s16 =	sshrl.u32 s3, $0x3  }
0xe: {  	s3 =	sadd.s32 s13, s16;
	s1 =	sadd.s32 s15, s16;
	s4 =	sadd.s32 $0x9C00, s16  }
0xf: {  	s7 =	sadd.s32 $0x13800, s16;
	s21 =	sadd.s32 $0x4E000, s16;
	[dreg:$0x3] =	wrdreg s3  }
0x10: {  	s24 =	sadd.s32 $0x57C00, s16;
	[dreg:$0x4] =	wrdreg s1;
	s5 =	sadd.s32 s13, s4  }
0x11: {  	s6 =	sadd.s32 s15, s4;
	s9 =	sadd.s32 s13, s7;
	[dreg:$0x5] =	wrdreg s5  }
0x12: {  	s4 =	sadd.s32 s15, s7;
	s3 =	sadd.s32 $0x24C000, s8;
	[dreg:$0x6] =	wrdreg s6  }
0x13: {  	s7 =	sadd.s32 $0x30C00, s16;
	s22 =	sadd.s32 s13, s21;
	[dreg:$0x7] =	wrdreg s9  }
0x14: {  	s23 =	sadd.s32 s15, s21;
	s21 =	simm.s32 $0x1900;
	[dreg:$0x8] =	wrdreg s4  }
0x15: {  	s5 =	sadd.s32 $0x1D400, s16;
	s6 =	sadd.s32 $0x27000, s16;
	[dreg:$0x13] =	wrdreg s22  }
0x16: {  	s4 =	sadd.s32 $0x48C600, s8;
	s17 =	sadd.s32 s13, s7;
	[dreg:$0x14] =	wrdreg s23  }
0x17: {  	s7 =	sadd.s32 s15, s7;
	s9 =	sadd.s32 $0x3A800, s16;
	[dreg:$0xd] =	wrdreg s17  }
0x18: {  	s22 =	simm.s32 $0x2100;
	s10 =	sadd.s32 s13, s5;
	[dreg:$0xe] =	wrdreg s7  }
0x19: {  	s23 =	simm.s32 $0x2900;
	s5 =	sadd.s32 s15, s5;
	[dreg:$0x9] =	wrdreg s10  }
0x1a: {  	s11 =	sadd.s32 s13, s6;
	s6 =	sadd.s32 s15, s6;
	[dreg:$0xa] =	wrdreg s5  }
0x1b: {  	s18 =	sadd.s32 s13, s9;
	s9 =	sadd.s32 s15, s9;
	[dreg:$0xb] =	wrdreg s11  }
0x1c: {  	s7 =	sadd.s32 $0x48C700, s8;
	s17 =	sadd.s32 $0x61800, s16;
	[dreg:$0xc] =	wrdreg s6  }
0x1d: {  	s5 =	sadd.s32 $0x24C100, s8;
	s6 =	sadd.s32 $0x24C200, s8;
	[dreg:$0xf] =	wrdreg s18  }
0x1e: {  	s10 =	sadd.s32 $0x44400, s16;
	[dreg:$0x10] =	wrdreg s9;
	s8 =	sadd.s32 $0x48C800, s8  }
0x1f: {  	s9 =	sadd.s32 s13, s24;
	s11 =	sadd.s32 s13, s17;
	s18 =	ssub.s32 $0x2, s12  }
0x20: {  	s12 =	sadd.s32 s15, s17;
	s16 =	sadd.s32 $0x6B400, s16;
	s19 =	sadd.s32 s13, s10  }
0x21: {  	s20 =	sadd.s32 s15, s10;
	s10 =	sadd.s32 s15, s24;
	s25 =	sshrl.u32 s18, $0x1  }
0x22: {  	s13 =	sadd.s32 s13, s16;
	s14 =	sadd.s32 s15, s16;
	s15 =	sadd.s32 s0, s26  }
0x23: {  	s24 =	simm.s32 $0x3100;
	s26 =	simm.s32 $0x4100;
	[dreg:$0x11] =	wrdreg s19  }
0x24: {  	v2 =	vlaneseq.u32;
	s0 =	simm.s32 $0x2;
	[dreg:$0x12] =	wrdreg s20;
	s17 =	ssub.s32 s18, s25  }
0x25: {  	vm0 =	vmmov $0xffff;
	v1 =	vshrl.u32 v2, $0x3;
	s18 =	simm.s32 $0x100;
	s19 =	simm.s32 $0x900;
	s20 =	simm.s32 $0x1100  }
0x26: {  	v0 =	vand.u32 $0x7, v2;
	v2 =	vor.u32 $0x8, v2;
	v1 =	vmul.u32 $0x8, v1;
	s25 =	simm.s32 $0x3900;
	s16 =	smax.u32 s17, $0x1;
	s17 =	simm.s32 $0x3  }
.LBB2_2:
0x27: {  	[tilespmem:s2], [sflag:$0x3] =	stream.linear.gather [hbm4b:s15+s2], $0x10, $0x38;
	[tilespmem:$0x6100] =	vst v63  }
0x28: {  	_ =	swait.ge [sflag:s17], $0x10  }
0x29: {  	[sflag:s17] =	ssyncset.done $0x0  }
0x2a: {  	[sflag:s17] =	ssyncadd.s32 $0xFFFFFFF0  }
0x2b: {  	v3 =	vld [tilespmem:$0x0];
	_ =	sdelay $0x4  }
0x2c: {  	v3 =	vadd.s32 $0x1, v3  }
0x2d: {  	v4 =	vshrl.u32 v3, $0x3  }
0x2e: {  	v4 =	vmul.u32 $0x30, v4  }
0x2f: {  	v5 =	vand.u32 $0x7, v3  }
0x30: {  	v4 =	vor.u32 v5, v4  }
0x31: {  	v5 =	vperm.xlane v4, v0;
	_ =	sdelay $0x1  }
0x32: {  	v5 =	vadd.s32 v1, v5;
	_ =	sdelay $0x3  }
0x33: {  	[tilespmem:$0x80] =	vst v3;
	v3 =	vperm.xlane v4, v2  }
0x34: {  	[tilespmem:s18], [sflag:$0x1] =	stream.indirect_vreg.gather [hbm4b:s3+s2], $0x80, v5, vm0, $0xb8;
	[tilespmem:$0x6100] =	vst v63  }
0x35: {  	v3 =	vadd.s32 v1, v3  }
0x36: {  	[tilespmem:s19], [sflag:$0x1] =	stream.indirect_vreg.gather [hbm4b:s5+s2], $0x80, v5, vm0, $0xb8;
	[tilespmem:$0x6100] =	vst v63  }
0x37: {  	_ = 	snop  }
0x38: {  	[tilespmem:s20], [sflag:$0x1] =	stream.indirect_vreg.gather [hbm4b:s6+s2], $0x80, v5, vm0, $0xb8;
	[tilespmem:$0x6100] =	vst v63  }
0x39: {  	_ = 	snop  }
0x3a: {  	[tilespmem:s21], [sflag:$0x1] =	stream.indirect_vreg.gather [hbm4b:s3+s2], $0x80, v3, vm0, $0xb8;
	[tilespmem:$0x6100] =	vst v63  }
0x3b: {  	_ = 	snop  }
0x3c: {  	[tilespmem:s22], [sflag:$0x1] =	stream.indirect_vreg.gather [hbm4b:s5+s2], $0x80, v3, vm0, $0xb8;
	[tilespmem:$0x6100] =	vst v63  }
0x3d: {  	_ = 	snop  }
0x3e: {  	[tilespmem:s23], [sflag:$0x1] =	stream.indirect_vreg.gather [hbm4b:s6+s2], $0x80, v3, vm0, $0xb8;
	[tilespmem:$0x6100] =	vst v63  }
0x3f: {  	v3 =	vld [tilespmem:$0x80];
	_ =	sdelay $0x4  }
0x40: {  	v30 =	vshrl.u32 v3, $0x3  }
0x41: {  	v4 =	vmul.u32 $0x30, v30  }
0x42: {  	v3 =	vand.u32 $0x7, v3  }
0x43: {  	v3 =	vor.u32 v3, v4  }
0x44: {  	v4 =	vperm.xlane v3, v0;
	_ =	sdelay $0x1  }
0x45: {  	v4 =	vadd.s32 v1, v4;
	_ =	sdelay $0x3  }
0x46: {  	v3 =	vperm.xlane v3, v2  }
0x47: {  	[tilespmem:s24], [sflag:$0x2] =	stream.indirect_vreg.gather [hbm4b:s4+s2], $0x80, v4, vm0, $0xb8;
	[tilespmem:$0x6100] =	vst v63  }
0x48: {  	v3 =	vadd.s32 v1, v3  }
0x49: {  	[tilespmem:s25], [sflag:$0x2] =	stream.indirect_vreg.gather [hbm4b:s7+s2], $0x80, v4, vm0, $0xb8;
	[tilespmem:$0x6100] =	vst v63  }
0x4a: {  	_ = 	snop  }
0x4b: {  	[tilespmem:s26], [sflag:$0x2] =	stream.indirect_vreg.gather [hbm4b:s8+s2], $0x80, v4, vm0, $0xb8;
	[tilespmem:$0x6100] =	vst v63  }
0x4c: {  	_ = 	snop  }
0x4d: {  	[tilespmem:s28], [sflag:$0x2] =	stream.indirect_vreg.gather [hbm4b:s4+s2], $0x80, v3, vm0, $0xb8;
	[tilespmem:$0x6100] =	vst v63  }
0x4e: {  	_ = 	snop  }
0x4f: {  	[tilespmem:s29], [sflag:$0x2] =	stream.indirect_vreg.gather [hbm4b:s7+s2], $0x80, v3, vm0, $0xb8;
	[tilespmem:$0x6100] =	vst v63  }
0x50: {  	_ = 	snop  }
0x51: {  	[tilespmem:s30], [sflag:$0x2] =	stream.indirect_vreg.gather [hbm4b:s8+s2], $0x80, v3, vm0, $0xb8;
	[tilespmem:$0x6100] =	vst v63  }
0x52: {  	_ =	swait.ge [sflag:s31], $0x3000  }
0x53: {  	[sflag:s31] =	ssyncset.done $0x0  }
0x54: {  	s1 =	rddreg [dreg:$0x3];
	[sflag:s31] =	ssyncadd.s32 $0xFFFFD000  }
0x55: {  	[hbm4b:s1+s2] =	stream.linear.scatter [tilespmem:s18], [sflag:$0x3], $0x3000, $0x38;
	[tilespmem:$0x6100] =	vst v63  }
0x56: {  	_ =	swait.ge [sflag:s17], $0x3000  }
0x57: {  	[sflag:s17] =	ssyncset.done $0x0  }
0x58: {  	[sflag:s17] =	ssyncadd.s32 $0xFFFFD000  }
0x59: {  	_ =	swait.ge [sflag:s0], $0x3000  }
0x5a: {  	[sflag:s0] =	ssyncset.done $0x0  }
0x5b: {  	s1 =	rddreg [dreg:$0x4];
	[sflag:s0] =	ssyncadd.s32 $0xFFFFD000  }
0x5c: {  	[hbm4b:s1+s2] =	stream.linear.scatter [tilespmem:s24], [sflag:$0x3], $0x3000, $0x38;
	[tilespmem:$0x6100] =	vst v63  }
0x5d: {  	_ =	swait.ge [sflag:s17], $0x3000  }
0x5e: {  	[sflag:s17] =	ssyncset.done $0x0  }
0x5f: {  	[sflag:s17] =	ssyncadd.s32 $0xFFFFD000  }
0x60: {  	v3 =	vld [tilespmem:$0x0];
	_ =	sdelay $0x4  }
0x61: {  	v3 =	vadd.s32 $0x802, v3  }
0x62: {  	v31 =	vshrl.u32 v3, $0x3  }
0x63: {  	v4 =	vmul.u32 $0x30, v31  }
0x64: {  	v32 =	vand.u32 $0x7, v3  }
0x65: {  	v4 =	vor.u32 v32, v4  }
0x66: {  	v5 =	vperm.xlane v4, v0;
	_ =	sdelay $0x1  }
0x67: {  	v5 =	vadd.s32 v1, v5;
	_ =	sdelay $0x3  }
0x68: {  	[tilespmem:$0x80] =	vst v3;
	v3 =	vperm.xlane v4, v2  }
0x69: {  	[tilespmem:s18], [sflag:$0x1] =	stream.indirect_vreg.gather [hbm4b:s3+s2], $0x80, v5, vm0, $0xb8;
	[tilespmem:$0x6100] =	vst v63  }
0x6a: {  	v3 =	vadd.s32 v1, v3  }
0x6b: {  	[tilespmem:s19], [sflag:$0x1] =	stream.indirect_vreg.gather [hbm4b:s5+s2], $0x80, v5, vm0, $0xb8;
	[tilespmem:$0x6100] =	vst v63  }
0x6c: {  	_ = 	snop  }
0x6d: {  	[tilespmem:s20], [sflag:$0x1] =	stream.indirect_vreg.gather [hbm4b:s6+s2], $0x80, v5, vm0, $0xb8;
	[tilespmem:$0x6100] =	vst v63  }
0x6e: {  	_ = 	snop  }
0x6f: {  	[tilespmem:s21], [sflag:$0x1] =	stream.indirect_vreg.gather [hbm4b:s3+s2], $0x80, v3, vm0, $0xb8;
	[tilespmem:$0x6100] =	vst v63  }
0x70: {  	_ = 	snop  }
0x71: {  	[tilespmem:s22], [sflag:$0x1] =	stream.indirect_vreg.gather [hbm4b:s5+s2], $0x80, v3, vm0, $0xb8;
	[tilespmem:$0x6100] =	vst v63  }
0x72: {  	_ = 	snop  }
0x73: {  	[tilespmem:s23], [sflag:$0x1] =	stream.indirect_vreg.gather [hbm4b:s6+s2], $0x80, v3, vm0, $0xb8;
	[tilespmem:$0x6100] =	vst v63  }
0x74: {  	v3 =	vld [tilespmem:$0x80];
	_ =	sdelay $0x4  }
0x75: {  	v33 =	vshrl.u32 v3, $0x3  }
0x76: {  	v4 =	vmul.u32 $0x30, v33  }
0x77: {  	v3 =	vand.u32 $0x7, v3  }
0x78: {  	v3 =	vor.u32 v3, v4  }
0x79: {  	v4 =	vperm.xlane v3, v0;
	_ =	sdelay $0x1  }
0x7a: {  	v4 =	vadd.s32 v1, v4;
	_ =	sdelay $0x3  }
0x7b: {  	v3 =	vperm.xlane v3, v2  }
0x7c: {  	[tilespmem:s24], [sflag:$0x2] =	stream.indirect_vreg.gather [hbm4b:s4+s2], $0x80, v4, vm0, $0xb8;
	[tilespmem:$0x6100] =	vst v63  }
0x7d: {  	v3 =	vadd.s32 v1, v3  }
0x7e: {  	[tilespmem:s25], [sflag:$0x2] =	stream.indirect_vreg.gather [hbm4b:s7+s2], $0x80, v4, vm0, $0xb8;
	[tilespmem:$0x6100] =	vst v63  }
0x7f: {  	_ = 	snop  }
0x80: {  	[tilespmem:s26], [sflag:$0x2] =	stream.indirect_vreg.gather [hbm4b:s8+s2], $0x80, v4, vm0, $0xb8;
	[tilespmem:$0x6100] =	vst v63  }
0x81: {  	_ = 	snop  }
0x82: {  	[tilespmem:s28], [sflag:$0x2] =	stream.indirect_vreg.gather [hbm4b:s4+s2], $0x80, v3, vm0, $0xb8;
	[tilespmem:$0x6100] =	vst v63  }
0x83: {  	_ = 	snop  }
0x84: {  	[tilespmem:s29], [sflag:$0x2] =	stream.indirect_vreg.gather [hbm4b:s7+s2], $0x80, v3, vm0, $0xb8;
	[tilespmem:$0x6100] =	vst v63  }
0x85: {  	_ = 	snop  }
0x86: {  	[tilespmem:s30], [sflag:$0x2] =	stream.indirect_vreg.gather [hbm4b:s8+s2], $0x80, v3, vm0, $0xb8;
	[tilespmem:$0x6100] =	vst v63  }
0x87: {  	_ =	swait.ge [sflag:s31], $0x3000  }
0x88: {  	[sflag:s31] =	ssyncset.done $0x0  }
0x89: {  	s1 =	rddreg [dreg:$0x5];
	[sflag:s31] =	ssyncadd.s32 $0xFFFFD000  }
0x8a: {  	[hbm4b:s1+s2] =	stream.linear.scatter [tilespmem:s18], [sflag:$0x3], $0x3000, $0x38;
	[tilespmem:$0x6100] =	vst v63  }
0x8b: {  	_ =	swait.ge [sflag:s17], $0x3000  }
0x8c: {  	[sflag:s17] =	ssyncset.done $0x0  }
0x8d: {  	[sflag:s17] =	ssyncadd.s32 $0xFFFFD000  }
0x8e: {  	_ =	swait.ge [sflag:s0], $0x3000  }
0x8f: {  	[sflag:s0] =	ssyncset.done $0x0  }
0x90: {  	s1 =	rddreg [dreg:$0x6];
	[sflag:s0] =	ssyncadd.s32 $0xFFFFD000  }
0x91: {  	[hbm4b:s1+s2] =	stream.linear.scatter [tilespmem:s24], [sflag:$0x3], $0x3000, $0x38;
	[tilespmem:$0x6100] =	vst v63  }
0x92: {  	_ =	swait.ge [sflag:s17], $0x3000  }
0x93: {  	[sflag:s17] =	ssyncset.done $0x0  }
0x94: {  	[sflag:s17] =	ssyncadd.s32 $0xFFFFD000  }
0x95: {  	v3 =	vld [tilespmem:$0x0];
	_ =	sdelay $0x4  }
0x96: {  	v3 =	vadd.s32 $0x1003, v3  }
0x97: {  	v34 =	vshrl.u32 v3, $0x3  }
0x98: {  	v4 =	vmul.u32 $0x30, v34  }
0x99: {  	v35 =	vand.u32 $0x7, v3  }
0x9a: {  	v4 =	vor.u32 v35, v4  }
0x9b: {  	v5 =	vperm.xlane v4, v0;
	_ =	sdelay $0x1  }
0x9c: {  	v5 =	vadd.s32 v1, v5;
	_ =	sdelay $0x3  }
0x9d: {  	[tilespmem:$0x80] =	vst v3;
	v3 =	vperm.xlane v4, v2  }
0x9e: {  	[tilespmem:s18], [sflag:$0x1] =	stream.indirect_vreg.gather [hbm4b:s3+s2], $0x80, v5, vm0, $0xb8;
	[tilespmem:$0x6100] =	vst v63  }
0x9f: {  	v3 =	vadd.s32 v1, v3  }
0xa0: {  	[tilespmem:s19], [sflag:$0x1] =	stream.indirect_vreg.gather [hbm4b:s5+s2], $0x80, v5, vm0, $0xb8;
	[tilespmem:$0x6100] =	vst v63  }
0xa1: {  	_ = 	snop  }
0xa2: {  	[tilespmem:s20], [sflag:$0x1] =	stream.indirect_vreg.gather [hbm4b:s6+s2], $0x80, v5, vm0, $0xb8;
	[tilespmem:$0x6100] =	vst v63  }
0xa3: {  	_ = 	snop  }
0xa4: {  	[tilespmem:s21], [sflag:$0x1] =	stream.indirect_vreg.gather [hbm4b:s3+s2], $0x80, v3, vm0, $0xb8;
	[tilespmem:$0x6100] =	vst v63  }
0xa5: {  	_ = 	snop  }
0xa6: {  	[tilespmem:s22], [sflag:$0x1] =	stream.indirect_vreg.gather [hbm4b:s5+s2], $0x80, v3, vm0, $0xb8;
	[tilespmem:$0x6100] =	vst v63  }
0xa7: {  	_ = 	snop  }
0xa8: {  	[tilespmem:s23], [sflag:$0x1] =	stream.indirect_vreg.gather [hbm4b:s6+s2], $0x80, v3, vm0, $0xb8;
	[tilespmem:$0x6100] =	vst v63  }
0xa9: {  	v3 =	vld [tilespmem:$0x80];
	_ =	sdelay $0x4  }
0xaa: {  	v36 =	vshrl.u32 v3, $0x3  }
0xab: {  	v4 =	vmul.u32 $0x30, v36  }
0xac: {  	v3 =	vand.u32 $0x7, v3  }
0xad: {  	v3 =	vor.u32 v3, v4  }
0xae: {  	v4 =	vperm.xlane v3, v0;
	_ =	sdelay $0x1  }
0xaf: {  	v4 =	vadd.s32 v1, v4;
	_ =	sdelay $0x3  }
0xb0: {  	v3 =	vperm.xlane v3, v2  }
0xb1: {  	[tilespmem:s24], [sflag:$0x2] =	stream.indirect_vreg.gather [hbm4b:s4+s2], $0x80, v4, vm0, $0xb8;
	[tilespmem:$0x6100] =	vst v63  }
0xb2: {  	v3 =	vadd.s32 v1, v3  }
0xb3: {  	[tilespmem:s25], [sflag:$0x2] =	stream.indirect_vreg.gather [hbm4b:s7+s2], $0x80, v4, vm0, $0xb8;
	[tilespmem:$0x6100] =	vst v63  }
0xb4: {  	_ = 	snop  }
0xb5: {  	[tilespmem:s26], [sflag:$0x2] =	stream.indirect_vreg.gather [hbm4b:s8+s2], $0x80, v4, vm0, $0xb8;
	[tilespmem:$0x6100] =	vst v63  }
0xb6: {  	_ = 	snop  }
0xb7: {  	[tilespmem:s28], [sflag:$0x2] =	stream.indirect_vreg.gather [hbm4b:s4+s2], $0x80, v3, vm0, $0xb8;
	[tilespmem:$0x6100] =	vst v63  }
0xb8: {  	_ = 	snop  }
0xb9: {  	[tilespmem:s29], [sflag:$0x2] =	stream.indirect_vreg.gather [hbm4b:s7+s2], $0x80, v3, vm0, $0xb8;
	[tilespmem:$0x6100] =	vst v63  }
0xba: {  	_ = 	snop  }
0xbb: {  	[tilespmem:s30], [sflag:$0x2] =	stream.indirect_vreg.gather [hbm4b:s8+s2], $0x80, v3, vm0, $0xb8;
	[tilespmem:$0x6100] =	vst v63  }
0xbc: {  	_ =	swait.ge [sflag:s31], $0x3000  }
0xbd: {  	[sflag:s31] =	ssyncset.done $0x0  }
0xbe: {  	s1 =	rddreg [dreg:$0x7];
	[sflag:s31] =	ssyncadd.s32 $0xFFFFD000  }
0xbf: {  	[hbm4b:s1+s2] =	stream.linear.scatter [tilespmem:s18], [sflag:$0x3], $0x3000, $0x38;
	[tilespmem:$0x6100] =	vst v63  }
0xc0: {  	_ =	swait.ge [sflag:s17], $0x3000  }
0xc1: {  	[sflag:s17] =	ssyncset.done $0x0  }
0xc2: {  	[sflag:s17] =	ssyncadd.s32 $0xFFFFD000  }
0xc3: {  	_ =	swait.ge [sflag:s0], $0x3000  }
0xc4: {  	[sflag:s0] =	ssyncset.done $0x0  }
0xc5: {  	s1 =	rddreg [dreg:$0x8];
	[sflag:s0] =	ssyncadd.s32 $0xFFFFD000  }
0xc6: {  	[hbm4b:s1+s2] =	stream.linear.scatter [tilespmem:s24], [sflag:$0x3], $0x3000, $0x38;
	[tilespmem:$0x6100] =	vst v63  }
0xc7: {  	_ =	swait.ge [sflag:s17], $0x3000  }
0xc8: {  	[sflag:s17] =	ssyncset.done $0x0  }
0xc9: {  	[sflag:s17] =	ssyncadd.s32 $0xFFFFD000  }
0xca: {  	v3 =	vld [tilespmem:$0x0];
	_ =	sdelay $0x4  }
0xcb: {  	v3 =	vadd.s32 $0x1804, v3  }
0xcc: {  	v37 =	vshrl.u32 v3, $0x3  }
0xcd: {  	v4 =	vmul.u32 $0x30, v37  }
0xce: {  	v38 =	vand.u32 $0x7, v3  }
0xcf: {  	v4 =	vor.u32 v38, v4  }
0xd0: {  	v5 =	vperm.xlane v4, v0;
	_ =	sdelay $0x1  }
0xd1: {  	v5 =	vadd.s32 v1, v5;
	_ =	sdelay $0x3  }
0xd2: {  	[tilespmem:$0x80] =	vst v3;
	v3 =	vperm.xlane v4, v2  }
0xd3: {  	[tilespmem:s18], [sflag:$0x1] =	stream.indirect_vreg.gather [hbm4b:s3+s2], $0x80, v5, vm0, $0xb8;
	[tilespmem:$0x6100] =	vst v63  }
0xd4: {  	v3 =	vadd.s32 v1, v3  }
0xd5: {  	[tilespmem:s19], [sflag:$0x1] =	stream.indirect_vreg.gather [hbm4b:s5+s2], $0x80, v5, vm0, $0xb8;
	[tilespmem:$0x6100] =	vst v63  }
0xd6: {  	_ = 	snop  }
0xd7: {  	[tilespmem:s20], [sflag:$0x1] =	stream.indirect_vreg.gather [hbm4b:s6+s2], $0x80, v5, vm0, $0xb8;
	[tilespmem:$0x6100] =	vst v63  }
0xd8: {  	_ = 	snop  }
0xd9: {  	[tilespmem:s21], [sflag:$0x1] =	stream.indirect_vreg.gather [hbm4b:s3+s2], $0x80, v3, vm0, $0xb8;
	[tilespmem:$0x6100] =	vst v63  }
0xda: {  	_ = 	snop  }
0xdb: {  	[tilespmem:s22], [sflag:$0x1] =	stream.indirect_vreg.gather [hbm4b:s5+s2], $0x80, v3, vm0, $0xb8;
	[tilespmem:$0x6100] =	vst v63  }
0xdc: {  	_ = 	snop  }
0xdd: {  	[tilespmem:s23], [sflag:$0x1] =	stream.indirect_vreg.gather [hbm4b:s6+s2], $0x80, v3, vm0, $0xb8;
	[tilespmem:$0x6100] =	vst v63  }
0xde: {  	v3 =	vld [tilespmem:$0x80];
	_ =	sdelay $0x4  }
0xdf: {  	v39 =	vshrl.u32 v3, $0x3  }
0xe0: {  	v4 =	vmul.u32 $0x30, v39  }
0xe1: {  	v3 =	vand.u32 $0x7, v3  }
0xe2: {  	v3 =	vor.u32 v3, v4  }
0xe3: {  	v4 =	vperm.xlane v3, v0;
	_ =	sdelay $0x1  }
0xe4: {  	v4 =	vadd.s32 v1, v4;
	_ =	sdelay $0x3  }
0xe5: {  	v3 =	vperm.xlane v3, v2  }
0xe6: {  	[tilespmem:s24], [sflag:$0x2] =	stream.indirect_vreg.gather [hbm4b:s4+s2], $0x80, v4, vm0, $0xb8;
	[tilespmem:$0x6100] =	vst v63  }
0xe7: {  	v3 =	vadd.s32 v1, v3  }
0xe8: {  	[tilespmem:s25], [sflag:$0x2] =	stream.indirect_vreg.gather [hbm4b:s7+s2], $0x80, v4, vm0, $0xb8;
	[tilespmem:$0x6100] =	vst v63  }
0xe9: {  	_ = 	snop  }
0xea: {  	[tilespmem:s26], [sflag:$0x2] =	stream.indirect_vreg.gather [hbm4b:s8+s2], $0x80, v4, vm0, $0xb8;
	[tilespmem:$0x6100] =	vst v63  }
0xeb: {  	_ = 	snop  }
0xec: {  	[tilespmem:s28], [sflag:$0x2] =	stream.indirect_vreg.gather [hbm4b:s4+s2], $0x80, v3, vm0, $0xb8;
	[tilespmem:$0x6100] =	vst v63  }
0xed: {  	_ = 	snop  }
0xee: {  	[tilespmem:s29], [sflag:$0x2] =	stream.indirect_vreg.gather [hbm4b:s7+s2], $0x80, v3, vm0, $0xb8;
	[tilespmem:$0x6100] =	vst v63  }
0xef: {  	_ = 	snop  }
0xf0: {  	[tilespmem:s30], [sflag:$0x2] =	stream.indirect_vreg.gather [hbm4b:s8+s2], $0x80, v3, vm0, $0xb8;
	[tilespmem:$0x6100] =	vst v63  }
0xf1: {  	_ =	swait.ge [sflag:s31], $0x3000  }
0xf2: {  	[sflag:s31] =	ssyncset.done $0x0  }
0xf3: {  	s1 =	rddreg [dreg:$0x9];
	[sflag:s31] =	ssyncadd.s32 $0xFFFFD000  }
0xf4: {  	[hbm4b:s1+s2] =	stream.linear.scatter [tilespmem:s18], [sflag:$0x3], $0x3000, $0x38;
	[tilespmem:$0x6100] =	vst v63  }
0xf5: {  	_ =	swait.ge [sflag:s17], $0x3000  }
0xf6: {  	[sflag:s17] =	ssyncset.done $0x0  }
0xf7: {  	[sflag:s17] =	ssyncadd.s32 $0xFFFFD000  }
0xf8: {  	_ =	swait.ge [sflag:s0], $0x3000  }
0xf9: {  	[sflag:s0] =	ssyncset.done $0x0  }
0xfa: {  	s1 =	rddreg [dreg:$0xa];
	[sflag:s0] =	ssyncadd.s32 $0xFFFFD000  }
0xfb: {  	[hbm4b:s1+s2] =	stream.linear.scatter [tilespmem:s24], [sflag:$0x3], $0x3000, $0x38;
	[tilespmem:$0x6100] =	vst v63  }
0xfc: {  	_ =	swait.ge [sflag:s17], $0x3000  }
0xfd: {  	[sflag:s17] =	ssyncset.done $0x0  }
0xfe: {  	[sflag:s17] =	ssyncadd.s32 $0xFFFFD000  }
0xff: {  	v3 =	vld [tilespmem:$0x0];
	_ =	sdelay $0x4  }
0x100: {  	v3 =	vadd.s32 $0x2005, v3  }
0x101: {  	v40 =	vshrl.u32 v3, $0x3  }
0x102: {  	v4 =	vmul.u32 $0x30, v40  }
0x103: {  	v41 =	vand.u32 $0x7, v3  }
0x104: {  	v4 =	vor.u32 v41, v4  }
0x105: {  	v5 =	vperm.xlane v4, v0;
	_ =	sdelay $0x1  }
0x106: {  	v5 =	vadd.s32 v1, v5;
	_ =	sdelay $0x3  }
0x107: {  	[tilespmem:$0x80] =	vst v3;
	v3 =	vperm.xlane v4, v2  }
0x108: {  	[tilespmem:s18], [sflag:$0x1] =	stream.indirect_vreg.gather [hbm4b:s3+s2], $0x80, v5, vm0, $0xb8;
	[tilespmem:$0x6100] =	vst v63  }
0x109: {  	v3 =	vadd.s32 v1, v3  }
0x10a: {  	[tilespmem:s19], [sflag:$0x1] =	stream.indirect_vreg.gather [hbm4b:s5+s2], $0x80, v5, vm0, $0xb8;
	[tilespmem:$0x6100] =	vst v63  }
0x10b: {  	_ = 	snop  }
0x10c: {  	[tilespmem:s20], [sflag:$0x1] =	stream.indirect_vreg.gather [hbm4b:s6+s2], $0x80, v5, vm0, $0xb8;
	[tilespmem:$0x6100] =	vst v63  }
0x10d: {  	_ = 	snop  }
0x10e: {  	[tilespmem:s21], [sflag:$0x1] =	stream.indirect_vreg.gather [hbm4b:s3+s2], $0x80, v3, vm0, $0xb8;
	[tilespmem:$0x6100] =	vst v63  }
0x10f: {  	_ = 	snop  }
0x110: {  	[tilespmem:s22], [sflag:$0x1] =	stream.indirect_vreg.gather [hbm4b:s5+s2], $0x80, v3, vm0, $0xb8;
	[tilespmem:$0x6100] =	vst v63  }
0x111: {  	_ = 	snop  }
0x112: {  	[tilespmem:s23], [sflag:$0x1] =	stream.indirect_vreg.gather [hbm4b:s6+s2], $0x80, v3, vm0, $0xb8;
	[tilespmem:$0x6100] =	vst v63  }
0x113: {  	v3 =	vld [tilespmem:$0x80];
	_ =	sdelay $0x4  }
0x114: {  	v42 =	vshrl.u32 v3, $0x3  }
0x115: {  	v4 =	vmul.u32 $0x30, v42  }
0x116: {  	v3 =	vand.u32 $0x7, v3  }
0x117: {  	v3 =	vor.u32 v3, v4  }
0x118: {  	v4 =	vperm.xlane v3, v0;
	_ =	sdelay $0x1  }
0x119: {  	v4 =	vadd.s32 v1, v4;
	_ =	sdelay $0x3  }
0x11a: {  	v3 =	vperm.xlane v3, v2  }
0x11b: {  	[tilespmem:s24], [sflag:$0x2] =	stream.indirect_vreg.gather [hbm4b:s4+s2], $0x80, v4, vm0, $0xb8;
	[tilespmem:$0x6100] =	vst v63  }
0x11c: {  	v3 =	vadd.s32 v1, v3  }
0x11d: {  	[tilespmem:s25], [sflag:$0x2] =	stream.indirect_vreg.gather [hbm4b:s7+s2], $0x80, v4, vm0, $0xb8;
	[tilespmem:$0x6100] =	vst v63  }
0x11e: {  	_ = 	snop  }
0x11f: {  	[tilespmem:s26], [sflag:$0x2] =	stream.indirect_vreg.gather [hbm4b:s8+s2], $0x80, v4, vm0, $0xb8;
	[tilespmem:$0x6100] =	vst v63  }
0x120: {  	_ = 	snop  }
0x121: {  	[tilespmem:s28], [sflag:$0x2] =	stream.indirect_vreg.gather [hbm4b:s4+s2], $0x80, v3, vm0, $0xb8;
	[tilespmem:$0x6100] =	vst v63  }
0x122: {  	_ = 	snop  }
0x123: {  	[tilespmem:s29], [sflag:$0x2] =	stream.indirect_vreg.gather [hbm4b:s7+s2], $0x80, v3, vm0, $0xb8;
	[tilespmem:$0x6100] =	vst v63  }
0x124: {  	_ = 	snop  }
0x125: {  	[tilespmem:s30], [sflag:$0x2] =	stream.indirect_vreg.gather [hbm4b:s8+s2], $0x80, v3, vm0, $0xb8;
	[tilespmem:$0x6100] =	vst v63  }
0x126: {  	_ =	swait.ge [sflag:s31], $0x3000  }
0x127: {  	[sflag:s31] =	ssyncset.done $0x0  }
0x128: {  	s1 =	rddreg [dreg:$0xb];
	[sflag:s31] =	ssyncadd.s32 $0xFFFFD000  }
0x129: {  	[hbm4b:s1+s2] =	stream.linear.scatter [tilespmem:s18], [sflag:$0x3], $0x3000, $0x38;
	[tilespmem:$0x6100] =	vst v63  }
0x12a: {  	_ =	swait.ge [sflag:s17], $0x3000  }
0x12b: {  	[sflag:s17] =	ssyncset.done $0x0  }
0x12c: {  	[sflag:s17] =	ssyncadd.s32 $0xFFFFD000  }
0x12d: {  	_ =	swait.ge [sflag:s0], $0x3000  }
0x12e: {  	[sflag:s0] =	ssyncset.done $0x0  }
0x12f: {  	s1 =	rddreg [dreg:$0xc];
	[sflag:s0] =	ssyncadd.s32 $0xFFFFD000  }
0x130: {  	[hbm4b:s1+s2] =	stream.linear.scatter [tilespmem:s24], [sflag:$0x3], $0x3000, $0x38;
	[tilespmem:$0x6100] =	vst v63  }
0x131: {  	_ =	swait.ge [sflag:s17], $0x3000  }
0x132: {  	[sflag:s17] =	ssyncset.done $0x0  }
0x133: {  	[sflag:s17] =	ssyncadd.s32 $0xFFFFD000  }
0x134: {  	v3 =	vld [tilespmem:$0x0];
	_ =	sdelay $0x4  }
0x135: {  	v3 =	vadd.s32 $0x2806, v3  }
0x136: {  	v43 =	vshrl.u32 v3, $0x3  }
0x137: {  	v4 =	vmul.u32 $0x30, v43  }
0x138: {  	v44 =	vand.u32 $0x7, v3  }
0x139: {  	v4 =	vor.u32 v44, v4  }
0x13a: {  	v5 =	vperm.xlane v4, v0;
	_ =	sdelay $0x1  }
0x13b: {  	v5 =	vadd.s32 v1, v5;
	_ =	sdelay $0x3  }
0x13c: {  	[tilespmem:$0x80] =	vst v3;
	v3 =	vperm.xlane v4, v2  }
0x13d: {  	[tilespmem:s18], [sflag:$0x1] =	stream.indirect_vreg.gather [hbm4b:s3+s2], $0x80, v5, vm0, $0xb8;
	[tilespmem:$0x6100] =	vst v63  }
0x13e: {  	v3 =	vadd.s32 v1, v3  }
0x13f: {  	[tilespmem:s19], [sflag:$0x1] =	stream.indirect_vreg.gather [hbm4b:s5+s2], $0x80, v5, vm0, $0xb8;
	[tilespmem:$0x6100] =	vst v63  }
0x140: {  	_ = 	snop  }
0x141: {  	[tilespmem:s20], [sflag:$0x1] =	stream.indirect_vreg.gather [hbm4b:s6+s2], $0x80, v5, vm0, $0xb8;
	[tilespmem:$0x6100] =	vst v63  }
0x142: {  	_ = 	snop  }
0x143: {  	[tilespmem:s21], [sflag:$0x1] =	stream.indirect_vreg.gather [hbm4b:s3+s2], $0x80, v3, vm0, $0xb8;
	[tilespmem:$0x6100] =	vst v63  }
0x144: {  	_ = 	snop  }
0x145: {  	[tilespmem:s22], [sflag:$0x1] =	stream.indirect_vreg.gather [hbm4b:s5+s2], $0x80, v3, vm0, $0xb8;
	[tilespmem:$0x6100] =	vst v63  }
0x146: {  	_ = 	snop  }
0x147: {  	[tilespmem:s23], [sflag:$0x1] =	stream.indirect_vreg.gather [hbm4b:s6+s2], $0x80, v3, vm0, $0xb8;
	[tilespmem:$0x6100] =	vst v63  }
0x148: {  	v3 =	vld [tilespmem:$0x80];
	_ =	sdelay $0x4  }
0x149: {  	v45 =	vshrl.u32 v3, $0x3  }
0x14a: {  	v4 =	vmul.u32 $0x30, v45  }
0x14b: {  	v3 =	vand.u32 $0x7, v3  }
0x14c: {  	v3 =	vor.u32 v3, v4  }
0x14d: {  	v4 =	vperm.xlane v3, v0;
	_ =	sdelay $0x1  }
0x14e: {  	v4 =	vadd.s32 v1, v4;
	_ =	sdelay $0x3  }
0x14f: {  	v3 =	vperm.xlane v3, v2  }
0x150: {  	[tilespmem:s24], [sflag:$0x2] =	stream.indirect_vreg.gather [hbm4b:s4+s2], $0x80, v4, vm0, $0xb8;
	[tilespmem:$0x6100] =	vst v63  }
0x151: {  	v3 =	vadd.s32 v1, v3  }
0x152: {  	[tilespmem:s25], [sflag:$0x2] =	stream.indirect_vreg.gather [hbm4b:s7+s2], $0x80, v4, vm0, $0xb8;
	[tilespmem:$0x6100] =	vst v63  }
0x153: {  	_ = 	snop  }
0x154: {  	[tilespmem:s26], [sflag:$0x2] =	stream.indirect_vreg.gather [hbm4b:s8+s2], $0x80, v4, vm0, $0xb8;
	[tilespmem:$0x6100] =	vst v63  }
0x155: {  	_ = 	snop  }
0x156: {  	[tilespmem:s28], [sflag:$0x2] =	stream.indirect_vreg.gather [hbm4b:s4+s2], $0x80, v3, vm0, $0xb8;
	[tilespmem:$0x6100] =	vst v63  }
0x157: {  	_ = 	snop  }
0x158: {  	[tilespmem:s29], [sflag:$0x2] =	stream.indirect_vreg.gather [hbm4b:s7+s2], $0x80, v3, vm0, $0xb8;
	[tilespmem:$0x6100] =	vst v63  }
0x159: {  	_ = 	snop  }
0x15a: {  	[tilespmem:s30], [sflag:$0x2] =	stream.indirect_vreg.gather [hbm4b:s8+s2], $0x80, v3, vm0, $0xb8;
	[tilespmem:$0x6100] =	vst v63  }
0x15b: {  	_ =	swait.ge [sflag:s31], $0x3000  }
0x15c: {  	[sflag:s31] =	ssyncset.done $0x0  }
0x15d: {  	s1 =	rddreg [dreg:$0xd];
	[sflag:s31] =	ssyncadd.s32 $0xFFFFD000  }
0x15e: {  	[hbm4b:s1+s2] =	stream.linear.scatter [tilespmem:s18], [sflag:$0x3], $0x3000, $0x38;
	[tilespmem:$0x6100] =	vst v63  }
0x15f: {  	_ =	swait.ge [sflag:s17], $0x3000  }
0x160: {  	[sflag:s17] =	ssyncset.done $0x0  }
0x161: {  	[sflag:s17] =	ssyncadd.s32 $0xFFFFD000  }
0x162: {  	_ =	swait.ge [sflag:s0], $0x3000  }
0x163: {  	[sflag:s0] =	ssyncset.done $0x0  }
0x164: {  	s1 =	rddreg [dreg:$0xe];
	[sflag:s0] =	ssyncadd.s32 $0xFFFFD000  }
0x165: {  	[hbm4b:s1+s2] =	stream.linear.scatter [tilespmem:s24], [sflag:$0x3], $0x3000, $0x38;
	[tilespmem:$0x6100] =	vst v63  }
0x166: {  	_ =	swait.ge [sflag:s17], $0x3000  }
0x167: {  	[sflag:s17] =	ssyncset.done $0x0  }
0x168: {  	[sflag:s17] =	ssyncadd.s32 $0xFFFFD000  }
0x169: {  	v3 =	vld [tilespmem:$0x0];
	_ =	sdelay $0x4  }
0x16a: {  	v3 =	vadd.s32 $0x3007, v3  }
0x16b: {  	v46 =	vshrl.u32 v3, $0x3  }
0x16c: {  	v4 =	vmul.u32 $0x30, v46  }
0x16d: {  	v47 =	vand.u32 $0x7, v3  }
0x16e: {  	v4 =	vor.u32 v47, v4  }
0x16f: {  	v5 =	vperm.xlane v4, v0;
	_ =	sdelay $0x1  }
0x170: {  	v5 =	vadd.s32 v1, v5;
	_ =	sdelay $0x3  }
0x171: {  	[tilespmem:$0x80] =	vst v3;
	v3 =	vperm.xlane v4, v2  }
0x172: {  	[tilespmem:s18], [sflag:$0x1] =	stream.indirect_vreg.gather [hbm4b:s3+s2], $0x80, v5, vm0, $0xb8;
	[tilespmem:$0x6100] =	vst v63  }
0x173: {  	v3 =	vadd.s32 v1, v3  }
0x174: {  	[tilespmem:s19], [sflag:$0x1] =	stream.indirect_vreg.gather [hbm4b:s5+s2], $0x80, v5, vm0, $0xb8;
	[tilespmem:$0x6100] =	vst v63  }
0x175: {  	_ = 	snop  }
0x176: {  	[tilespmem:s20], [sflag:$0x1] =	stream.indirect_vreg.gather [hbm4b:s6+s2], $0x80, v5, vm0, $0xb8;
	[tilespmem:$0x6100] =	vst v63  }
0x177: {  	_ = 	snop  }
0x178: {  	[tilespmem:s21], [sflag:$0x1] =	stream.indirect_vreg.gather [hbm4b:s3+s2], $0x80, v3, vm0, $0xb8;
	[tilespmem:$0x6100] =	vst v63  }
0x179: {  	_ = 	snop  }
0x17a: {  	[tilespmem:s22], [sflag:$0x1] =	stream.indirect_vreg.gather [hbm4b:s5+s2], $0x80, v3, vm0, $0xb8;
	[tilespmem:$0x6100] =	vst v63  }
0x17b: {  	_ = 	snop  }
0x17c: {  	[tilespmem:s23], [sflag:$0x1] =	stream.indirect_vreg.gather [hbm4b:s6+s2], $0x80, v3, vm0, $0xb8;
	[tilespmem:$0x6100] =	vst v63  }
0x17d: {  	v3 =	vld [tilespmem:$0x80];
	_ =	sdelay $0x4  }
0x17e: {  	v48 =	vshrl.u32 v3, $0x3  }
0x17f: {  	v4 =	vmul.u32 $0x30, v48  }
0x180: {  	v3 =	vand.u32 $0x7, v3  }
0x181: {  	v3 =	vor.u32 v3, v4  }
0x182: {  	v4 =	vperm.xlane v3, v0;
	_ =	sdelay $0x1  }
0x183: {  	v4 =	vadd.s32 v1, v4;
	_ =	sdelay $0x3  }
0x184: {  	v3 =	vperm.xlane v3, v2  }
0x185: {  	[tilespmem:s24], [sflag:$0x2] =	stream.indirect_vreg.gather [hbm4b:s4+s2], $0x80, v4, vm0, $0xb8;
	[tilespmem:$0x6100] =	vst v63  }
0x186: {  	v3 =	vadd.s32 v1, v3  }
0x187: {  	[tilespmem:s25], [sflag:$0x2] =	stream.indirect_vreg.gather [hbm4b:s7+s2], $0x80, v4, vm0, $0xb8;
	[tilespmem:$0x6100] =	vst v63  }
0x188: {  	_ = 	snop  }
0x189: {  	[tilespmem:s26], [sflag:$0x2] =	stream.indirect_vreg.gather [hbm4b:s8+s2], $0x80, v4, vm0, $0xb8;
	[tilespmem:$0x6100] =	vst v63  }
0x18a: {  	_ = 	snop  }
0x18b: {  	[tilespmem:s28], [sflag:$0x2] =	stream.indirect_vreg.gather [hbm4b:s4+s2], $0x80, v3, vm0, $0xb8;
	[tilespmem:$0x6100] =	vst v63  }
0x18c: {  	_ = 	snop  }
0x18d: {  	[tilespmem:s29], [sflag:$0x2] =	stream.indirect_vreg.gather [hbm4b:s7+s2], $0x80, v3, vm0, $0xb8;
	[tilespmem:$0x6100] =	vst v63  }
0x18e: {  	_ = 	snop  }
0x18f: {  	[tilespmem:s30], [sflag:$0x2] =	stream.indirect_vreg.gather [hbm4b:s8+s2], $0x80, v3, vm0, $0xb8;
	[tilespmem:$0x6100] =	vst v63  }
0x190: {  	_ =	swait.ge [sflag:s31], $0x3000  }
0x191: {  	[sflag:s31] =	ssyncset.done $0x0  }
0x192: {  	s1 =	rddreg [dreg:$0xf];
	[sflag:s31] =	ssyncadd.s32 $0xFFFFD000  }
0x193: {  	[hbm4b:s1+s2] =	stream.linear.scatter [tilespmem:s18], [sflag:$0x3], $0x3000, $0x38;
	[tilespmem:$0x6100] =	vst v63  }
0x194: {  	_ =	swait.ge [sflag:s17], $0x3000  }
0x195: {  	[sflag:s17] =	ssyncset.done $0x0  }
0x196: {  	[sflag:s17] =	ssyncadd.s32 $0xFFFFD000  }
0x197: {  	_ =	swait.ge [sflag:s0], $0x3000  }
0x198: {  	[sflag:s0] =	ssyncset.done $0x0  }
0x199: {  	s1 =	rddreg [dreg:$0x10];
	[sflag:s0] =	ssyncadd.s32 $0xFFFFD000  }
0x19a: {  	[hbm4b:s1+s2] =	stream.linear.scatter [tilespmem:s24], [sflag:$0x3], $0x3000, $0x38;
	[tilespmem:$0x6100] =	vst v63  }
0x19b: {  	_ =	swait.ge [sflag:s17], $0x3000  }
0x19c: {  	[sflag:s17] =	ssyncset.done $0x0  }
0x19d: {  	[sflag:s17] =	ssyncadd.s32 $0xFFFFD000  }
0x19e: {  	v3 =	vld [tilespmem:$0x0];
	_ =	sdelay $0x4  }
0x19f: {  	v49 =	vadd.s32 $0x3808, v3  }
0x1a0: {  	v50 =	vshrl.u32 v49, $0x3  }
0x1a1: {  	v5 =	vmul.u32 $0x30, v50  }
0x1a2: {  	v3 =	vand.u32 $0x7, v3  }
0x1a3: {  	v3 =	vor.u32 v3, v5  }
0x1a4: {  	v5 =	vperm.xlane v3, v0;
	_ =	sdelay $0x1  }
0x1a5: {  	v5 =	vadd.s32 v1, v5;
	_ =	sdelay $0x3  }
0x1a6: {  	[tilespmem:$0x80] =	vst v49;
	v3 =	vperm.xlane v3, v2  }
0x1a7: {  	[tilespmem:s18], [sflag:$0x1] =	stream.indirect_vreg.gather [hbm4b:s3+s2], $0x80, v5, vm0, $0xb8;
	[tilespmem:$0x6100] =	vst v63  }
0x1a8: {  	v3 =	vadd.s32 v1, v3  }
0x1a9: {  	[tilespmem:s19], [sflag:$0x1] =	stream.indirect_vreg.gather [hbm4b:s5+s2], $0x80, v5, vm0, $0xb8;
	[tilespmem:$0x6100] =	vst v63  }
0x1aa: {  	_ = 	snop  }
0x1ab: {  	[tilespmem:s20], [sflag:$0x1] =	stream.indirect_vreg.gather [hbm4b:s6+s2], $0x80, v5, vm0, $0xb8;
	[tilespmem:$0x6100] =	vst v63  }
0x1ac: {  	_ = 	snop  }
0x1ad: {  	[tilespmem:s21], [sflag:$0x1] =	stream.indirect_vreg.gather [hbm4b:s3+s2], $0x80, v3, vm0, $0xb8;
	[tilespmem:$0x6100] =	vst v63  }
0x1ae: {  	_ = 	snop  }
0x1af: {  	[tilespmem:s22], [sflag:$0x1] =	stream.indirect_vreg.gather [hbm4b:s5+s2], $0x80, v3, vm0, $0xb8;
	[tilespmem:$0x6100] =	vst v63  }
0x1b0: {  	_ = 	snop  }
0x1b1: {  	[tilespmem:s23], [sflag:$0x1] =	stream.indirect_vreg.gather [hbm4b:s6+s2], $0x80, v3, vm0, $0xb8;
	[tilespmem:$0x6100] =	vst v63  }
0x1b2: {  	v3 =	vld [tilespmem:$0x80];
	_ =	sdelay $0x4  }
0x1b3: {  	v51 =	vshrl.u32 v3, $0x3  }
0x1b4: {  	v4 =	vmul.u32 $0x30, v51  }
0x1b5: {  	v3 =	vand.u32 $0x7, v3  }
0x1b6: {  	v3 =	vor.u32 v3, v4  }
0x1b7: {  	v4 =	vperm.xlane v3, v0;
	_ =	sdelay $0x1  }
0x1b8: {  	v4 =	vadd.s32 v1, v4;
	_ =	sdelay $0x3  }
0x1b9: {  	v3 =	vperm.xlane v3, v2  }
0x1ba: {  	[tilespmem:s24], [sflag:$0x2] =	stream.indirect_vreg.gather [hbm4b:s4+s2], $0x80, v4, vm0, $0xb8;
	[tilespmem:$0x6100] =	vst v63  }
0x1bb: {  	v3 =	vadd.s32 v1, v3  }
0x1bc: {  	[tilespmem:s25], [sflag:$0x2] =	stream.indirect_vreg.gather [hbm4b:s7+s2], $0x80, v4, vm0, $0xb8;
	[tilespmem:$0x6100] =	vst v63  }
0x1bd: {  	_ = 	snop  }
0x1be: {  	[tilespmem:s26], [sflag:$0x2] =	stream.indirect_vreg.gather [hbm4b:s8+s2], $0x80, v4, vm0, $0xb8;
	[tilespmem:$0x6100] =	vst v63  }
0x1bf: {  	_ = 	snop  }
0x1c0: {  	[tilespmem:s28], [sflag:$0x2] =	stream.indirect_vreg.gather [hbm4b:s4+s2], $0x80, v3, vm0, $0xb8;
	[tilespmem:$0x6100] =	vst v63  }
0x1c1: {  	_ = 	snop  }
0x1c2: {  	[tilespmem:s29], [sflag:$0x2] =	stream.indirect_vreg.gather [hbm4b:s7+s2], $0x80, v3, vm0, $0xb8;
	[tilespmem:$0x6100] =	vst v63  }
0x1c3: {  	_ = 	snop  }
0x1c4: {  	[tilespmem:s30], [sflag:$0x2] =	stream.indirect_vreg.gather [hbm4b:s8+s2], $0x80, v3, vm0, $0xb8;
	[tilespmem:$0x6100] =	vst v63  }
0x1c5: {  	_ =	swait.ge [sflag:s31], $0x3000  }
0x1c6: {  	[sflag:s31] =	ssyncset.done $0x0  }
0x1c7: {  	s1 =	rddreg [dreg:$0x11];
	[sflag:s31] =	ssyncadd.s32 $0xFFFFD000  }
0x1c8: {  	[hbm4b:s1+s2] =	stream.linear.scatter [tilespmem:s18], [sflag:$0x3], $0x3000, $0x38;
	[tilespmem:$0x6100] =	vst v63  }
0x1c9: {  	_ =	swait.ge [sflag:s17], $0x3000  }
0x1ca: {  	[sflag:s17] =	ssyncset.done $0x0  }
0x1cb: {  	[sflag:s17] =	ssyncadd.s32 $0xFFFFD000  }
0x1cc: {  	_ =	swait.ge [sflag:s0], $0x3000  }
0x1cd: {  	[sflag:s0] =	ssyncset.done $0x0  }
0x1ce: {  	s1 =	rddreg [dreg:$0x12];
	[sflag:s0] =	ssyncadd.s32 $0xFFFFD000  }
0x1cf: {  	[hbm4b:s1+s2] =	stream.linear.scatter [tilespmem:s24], [sflag:$0x3], $0x3000, $0x38;
	[tilespmem:$0x6100] =	vst v63  }
0x1d0: {  	_ =	swait.ge [sflag:s17], $0x3000  }
0x1d1: {  	[sflag:s17] =	ssyncset.done $0x0  }
0x1d2: {  	[sflag:s17] =	ssyncadd.s32 $0xFFFFD000  }
0x1d3: {  	v3 =	vld [tilespmem:$0x0];
	_ =	sdelay $0x4  }
0x1d4: {  	v3 =	vadd.s32 $0x4009, v3  }
0x1d5: {  	v52 =	vshrl.u32 v3, $0x3  }
0x1d6: {  	v4 =	vmul.u32 $0x30, v52  }
0x1d7: {  	v53 =	vand.u32 $0x7, v3  }
0x1d8: {  	v4 =	vor.u32 v53, v4  }
0x1d9: {  	v5 =	vperm.xlane v4, v0;
	_ =	sdelay $0x1  }
0x1da: {  	v5 =	vadd.s32 v1, v5;
	_ =	sdelay $0x3  }
0x1db: {  	[tilespmem:$0x80] =	vst v3;
	v3 =	vperm.xlane v4, v2  }
0x1dc: {  	[tilespmem:s18], [sflag:$0x1] =	stream.indirect_vreg.gather [hbm4b:s3+s2], $0x80, v5, vm0, $0xb8;
	[tilespmem:$0x6100] =	vst v63  }
0x1dd: {  	v3 =	vadd.s32 v1, v3  }
0x1de: {  	[tilespmem:s19], [sflag:$0x1] =	stream.indirect_vreg.gather [hbm4b:s5+s2], $0x80, v5, vm0, $0xb8;
	[tilespmem:$0x6100] =	vst v63  }
0x1df: {  	_ = 	snop  }
0x1e0: {  	[tilespmem:s20], [sflag:$0x1] =	stream.indirect_vreg.gather [hbm4b:s6+s2], $0x80, v5, vm0, $0xb8;
	[tilespmem:$0x6100] =	vst v63  }
0x1e1: {  	_ = 	snop  }
0x1e2: {  	[tilespmem:s21], [sflag:$0x1] =	stream.indirect_vreg.gather [hbm4b:s3+s2], $0x80, v3, vm0, $0xb8;
	[tilespmem:$0x6100] =	vst v63  }
0x1e3: {  	_ = 	snop  }
0x1e4: {  	[tilespmem:s22], [sflag:$0x1] =	stream.indirect_vreg.gather [hbm4b:s5+s2], $0x80, v3, vm0, $0xb8;
	[tilespmem:$0x6100] =	vst v63  }
0x1e5: {  	_ = 	snop  }
0x1e6: {  	[tilespmem:s23], [sflag:$0x1] =	stream.indirect_vreg.gather [hbm4b:s6+s2], $0x80, v3, vm0, $0xb8;
	[tilespmem:$0x6100] =	vst v63  }
0x1e7: {  	v3 =	vld [tilespmem:$0x80];
	_ =	sdelay $0x4  }
0x1e8: {  	v54 =	vshrl.u32 v3, $0x3  }
0x1e9: {  	v4 =	vmul.u32 $0x30, v54  }
0x1ea: {  	v3 =	vand.u32 $0x7, v3  }
0x1eb: {  	v3 =	vor.u32 v3, v4  }
0x1ec: {  	v4 =	vperm.xlane v3, v0;
	_ =	sdelay $0x1  }
0x1ed: {  	v4 =	vadd.s32 v1, v4;
	_ =	sdelay $0x3  }
0x1ee: {  	v3 =	vperm.xlane v3, v2  }
0x1ef: {  	[tilespmem:s24], [sflag:$0x2] =	stream.indirect_vreg.gather [hbm4b:s4+s2], $0x80, v4, vm0, $0xb8;
	[tilespmem:$0x6100] =	vst v63  }
0x1f0: {  	v3 =	vadd.s32 v1, v3  }
0x1f1: {  	[tilespmem:s25], [sflag:$0x2] =	stream.indirect_vreg.gather [hbm4b:s7+s2], $0x80, v4, vm0, $0xb8;
	[tilespmem:$0x6100] =	vst v63  }
0x1f2: {  	_ = 	snop  }
0x1f3: {  	[tilespmem:s26], [sflag:$0x2] =	stream.indirect_vreg.gather [hbm4b:s8+s2], $0x80, v4, vm0, $0xb8;
	[tilespmem:$0x6100] =	vst v63  }
0x1f4: {  	_ = 	snop  }
0x1f5: {  	[tilespmem:s28], [sflag:$0x2] =	stream.indirect_vreg.gather [hbm4b:s4+s2], $0x80, v3, vm0, $0xb8;
	[tilespmem:$0x6100] =	vst v63  }
0x1f6: {  	_ = 	snop  }
0x1f7: {  	[tilespmem:s29], [sflag:$0x2] =	stream.indirect_vreg.gather [hbm4b:s7+s2], $0x80, v3, vm0, $0xb8;
	[tilespmem:$0x6100] =	vst v63  }
0x1f8: {  	_ = 	snop  }
0x1f9: {  	[tilespmem:s30], [sflag:$0x2] =	stream.indirect_vreg.gather [hbm4b:s8+s2], $0x80, v3, vm0, $0xb8;
	[tilespmem:$0x6100] =	vst v63  }
0x1fa: {  	_ =	swait.ge [sflag:s31], $0x3000  }
0x1fb: {  	[sflag:s31] =	ssyncset.done $0x0  }
0x1fc: {  	s1 =	rddreg [dreg:$0x13];
	[sflag:s31] =	ssyncadd.s32 $0xFFFFD000  }
0x1fd: {  	[hbm4b:s1+s2] =	stream.linear.scatter [tilespmem:s18], [sflag:$0x3], $0x3000, $0x38;
	[tilespmem:$0x6100] =	vst v63  }
0x1fe: {  	_ =	swait.ge [sflag:s17], $0x3000  }
0x1ff: {  	[sflag:s17] =	ssyncset.done $0x0  }
0x200: {  	[sflag:s17] =	ssyncadd.s32 $0xFFFFD000  }
0x201: {  	_ =	swait.ge [sflag:s0], $0x3000  }
0x202: {  	[sflag:s0] =	ssyncset.done $0x0  }
0x203: {  	s1 =	rddreg [dreg:$0x14];
	[sflag:s0] =	ssyncadd.s32 $0xFFFFD000  }
0x204: {  	[hbm4b:s1+s2] =	stream.linear.scatter [tilespmem:s24], [sflag:$0x3], $0x3000, $0x38;
	[tilespmem:$0x6100] =	vst v63  }
0x205: {  	_ =	swait.ge [sflag:s17], $0x3000  }
0x206: {  	[sflag:s17] =	ssyncset.done $0x0  }
0x207: {  	[sflag:s17] =	ssyncadd.s32 $0xFFFFD000  }
0x208: {  	v3 =	vld [tilespmem:$0x0];
	_ =	sdelay $0x4  }
0x209: {  	v3 =	vadd.s32 $0x480A, v3  }
0x20a: {  	v55 =	vshrl.u32 v3, $0x3  }
0x20b: {  	v4 =	vmul.u32 $0x30, v55  }
0x20c: {  	v56 =	vand.u32 $0x7, v3  }
0x20d: {  	v4 =	vor.u32 v56, v4  }
0x20e: {  	v5 =	vperm.xlane v4, v0;
	_ =	sdelay $0x1  }
0x20f: {  	v5 =	vadd.s32 v1, v5;
	_ =	sdelay $0x3  }
0x210: {  	[tilespmem:$0x80] =	vst v3;
	v3 =	vperm.xlane v4, v2  }
0x211: {  	[tilespmem:s18], [sflag:$0x1] =	stream.indirect_vreg.gather [hbm4b:s3+s2], $0x80, v5, vm0, $0xb8;
	[tilespmem:$0x6100] =	vst v63  }
0x212: {  	v3 =	vadd.s32 v1, v3  }
0x213: {  	[tilespmem:s19], [sflag:$0x1] =	stream.indirect_vreg.gather [hbm4b:s5+s2], $0x80, v5, vm0, $0xb8;
	[tilespmem:$0x6100] =	vst v63  }
0x214: {  	_ = 	snop  }
0x215: {  	[tilespmem:s20], [sflag:$0x1] =	stream.indirect_vreg.gather [hbm4b:s6+s2], $0x80, v5, vm0, $0xb8;
	[tilespmem:$0x6100] =	vst v63  }
0x216: {  	_ = 	snop  }
0x217: {  	[tilespmem:s21], [sflag:$0x1] =	stream.indirect_vreg.gather [hbm4b:s3+s2], $0x80, v3, vm0, $0xb8;
	[tilespmem:$0x6100] =	vst v63  }
0x218: {  	_ = 	snop  }
0x219: {  	[tilespmem:s22], [sflag:$0x1] =	stream.indirect_vreg.gather [hbm4b:s5+s2], $0x80, v3, vm0, $0xb8;
	[tilespmem:$0x6100] =	vst v63  }
0x21a: {  	_ = 	snop  }
0x21b: {  	[tilespmem:s23], [sflag:$0x1] =	stream.indirect_vreg.gather [hbm4b:s6+s2], $0x80, v3, vm0, $0xb8;
	[tilespmem:$0x6100] =	vst v63  }
0x21c: {  	v3 =	vld [tilespmem:$0x80];
	_ =	sdelay $0x4  }
0x21d: {  	v57 =	vshrl.u32 v3, $0x3  }
0x21e: {  	v4 =	vmul.u32 $0x30, v57  }
0x21f: {  	v3 =	vand.u32 $0x7, v3  }
0x220: {  	v3 =	vor.u32 v3, v4  }
0x221: {  	v4 =	vperm.xlane v3, v0;
	_ =	sdelay $0x1  }
0x222: {  	v4 =	vadd.s32 v1, v4;
	_ =	sdelay $0x3  }
0x223: {  	v3 =	vperm.xlane v3, v2  }
0x224: {  	[tilespmem:s24], [sflag:$0x2] =	stream.indirect_vreg.gather [hbm4b:s4+s2], $0x80, v4, vm0, $0xb8;
	[tilespmem:$0x6100] =	vst v63  }
0x225: {  	v3 =	vadd.s32 v1, v3  }
0x226: {  	[tilespmem:s25], [sflag:$0x2] =	stream.indirect_vreg.gather [hbm4b:s7+s2], $0x80, v4, vm0, $0xb8;
	[tilespmem:$0x6100] =	vst v63  }
0x227: {  	_ = 	snop  }
0x228: {  	[tilespmem:s26], [sflag:$0x2] =	stream.indirect_vreg.gather [hbm4b:s8+s2], $0x80, v4, vm0, $0xb8;
	[tilespmem:$0x6100] =	vst v63  }
0x229: {  	_ = 	snop  }
0x22a: {  	[tilespmem:s28], [sflag:$0x2] =	stream.indirect_vreg.gather [hbm4b:s4+s2], $0x80, v3, vm0, $0xb8;
	[tilespmem:$0x6100] =	vst v63  }
0x22b: {  	_ = 	snop  }
0x22c: {  	[tilespmem:s29], [sflag:$0x2] =	stream.indirect_vreg.gather [hbm4b:s7+s2], $0x80, v3, vm0, $0xb8;
	[tilespmem:$0x6100] =	vst v63  }
0x22d: {  	_ = 	snop  }
0x22e: {  	[tilespmem:s30], [sflag:$0x2] =	stream.indirect_vreg.gather [hbm4b:s8+s2], $0x80, v3, vm0, $0xb8;
	[tilespmem:$0x6100] =	vst v63  }
0x22f: {  	_ =	swait.ge [sflag:s31], $0x3000  }
0x230: {  	[sflag:s31] =	ssyncset.done $0x0  }
0x231: {  	[sflag:s31] =	ssyncadd.s32 $0xFFFFD000  }
0x232: {  	[hbm4b:s9+s2] =	stream.linear.scatter [tilespmem:s18], [sflag:$0x3], $0x3000, $0x38;
	[tilespmem:$0x6100] =	vst v63  }
0x233: {  	_ =	swait.ge [sflag:s17], $0x3000  }
0x234: {  	[sflag:s17] =	ssyncset.done $0x0  }
0x235: {  	[sflag:s17] =	ssyncadd.s32 $0xFFFFD000  }
0x236: {  	_ =	swait.ge [sflag:s0], $0x3000  }
0x237: {  	[sflag:s0] =	ssyncset.done $0x0  }
0x238: {  	[sflag:s0] =	ssyncadd.s32 $0xFFFFD000  }
0x239: {  	[hbm4b:s10+s2] =	stream.linear.scatter [tilespmem:s24], [sflag:$0x3], $0x3000, $0x38;
	[tilespmem:$0x6100] =	vst v63  }
0x23a: {  	_ =	swait.ge [sflag:s17], $0x3000  }
0x23b: {  	[sflag:s17] =	ssyncset.done $0x0  }
0x23c: {  	[sflag:s17] =	ssyncadd.s32 $0xFFFFD000  }
0x23d: {  	v3 =	vld [tilespmem:$0x0];
	_ =	sdelay $0x4  }
0x23e: {  	v3 =	vadd.s32 $0x500B, v3  }
0x23f: {  	v58 =	vshrl.u32 v3, $0x3  }
0x240: {  	v4 =	vmul.u32 $0x30, v58  }
0x241: {  	v59 =	vand.u32 $0x7, v3  }
0x242: {  	v4 =	vor.u32 v59, v4  }
0x243: {  	v5 =	vperm.xlane v4, v0;
	_ =	sdelay $0x1  }
0x244: {  	v5 =	vadd.s32 v1, v5;
	_ =	sdelay $0x3  }
0x245: {  	[tilespmem:$0x80] =	vst v3;
	v3 =	vperm.xlane v4, v2  }
0x246: {  	[tilespmem:s18], [sflag:$0x1] =	stream.indirect_vreg.gather [hbm4b:s3+s2], $0x80, v5, vm0, $0xb8;
	[tilespmem:$0x6100] =	vst v63  }
0x247: {  	v3 =	vadd.s32 v1, v3  }
0x248: {  	[tilespmem:s19], [sflag:$0x1] =	stream.indirect_vreg.gather [hbm4b:s5+s2], $0x80, v5, vm0, $0xb8;
	[tilespmem:$0x6100] =	vst v63  }
0x249: {  	_ = 	snop  }
0x24a: {  	[tilespmem:s20], [sflag:$0x1] =	stream.indirect_vreg.gather [hbm4b:s6+s2], $0x80, v5, vm0, $0xb8;
	[tilespmem:$0x6100] =	vst v63  }
0x24b: {  	_ = 	snop  }
0x24c: {  	[tilespmem:s21], [sflag:$0x1] =	stream.indirect_vreg.gather [hbm4b:s3+s2], $0x80, v3, vm0, $0xb8;
	[tilespmem:$0x6100] =	vst v63  }
0x24d: {  	_ = 	snop  }
0x24e: {  	[tilespmem:s22], [sflag:$0x1] =	stream.indirect_vreg.gather [hbm4b:s5+s2], $0x80, v3, vm0, $0xb8;
	[tilespmem:$0x6100] =	vst v63  }
0x24f: {  	_ = 	snop  }
0x250: {  	[tilespmem:s23], [sflag:$0x1] =	stream.indirect_vreg.gather [hbm4b:s6+s2], $0x80, v3, vm0, $0xb8;
	[tilespmem:$0x6100] =	vst v63  }
0x251: {  	v3 =	vld [tilespmem:$0x80];
	_ =	sdelay $0x4  }
0x252: {  	v60 =	vshrl.u32 v3, $0x3  }
0x253: {  	v4 =	vmul.u32 $0x30, v60  }
0x254: {  	v3 =	vand.u32 $0x7, v3  }
0x255: {  	v3 =	vor.u32 v3, v4  }
0x256: {  	v4 =	vperm.xlane v3, v0;
	_ =	sdelay $0x1  }
0x257: {  	v4 =	vadd.s32 v1, v4;
	_ =	sdelay $0x3  }
0x258: {  	v3 =	vperm.xlane v3, v2  }
0x259: {  	[tilespmem:s24], [sflag:$0x2] =	stream.indirect_vreg.gather [hbm4b:s4+s2], $0x80, v4, vm0, $0xb8;
	[tilespmem:$0x6100] =	vst v63  }
0x25a: {  	v3 =	vadd.s32 v1, v3  }
0x25b: {  	[tilespmem:s25], [sflag:$0x2] =	stream.indirect_vreg.gather [hbm4b:s7+s2], $0x80, v4, vm0, $0xb8;
	[tilespmem:$0x6100] =	vst v63  }
0x25c: {  	_ = 	snop  }
0x25d: {  	[tilespmem:s26], [sflag:$0x2] =	stream.indirect_vreg.gather [hbm4b:s8+s2], $0x80, v4, vm0, $0xb8;
	[tilespmem:$0x6100] =	vst v63  }
0x25e: {  	_ = 	snop  }
0x25f: {  	[tilespmem:s28], [sflag:$0x2] =	stream.indirect_vreg.gather [hbm4b:s4+s2], $0x80, v3, vm0, $0xb8;
	[tilespmem:$0x6100] =	vst v63  }
0x260: {  	_ = 	snop  }
0x261: {  	[tilespmem:s29], [sflag:$0x2] =	stream.indirect_vreg.gather [hbm4b:s7+s2], $0x80, v3, vm0, $0xb8;
	[tilespmem:$0x6100] =	vst v63  }
0x262: {  	_ = 	snop  }
0x263: {  	[tilespmem:s30], [sflag:$0x2] =	stream.indirect_vreg.gather [hbm4b:s8+s2], $0x80, v3, vm0, $0xb8;
	[tilespmem:$0x6100] =	vst v63  }
0x264: {  	_ =	swait.ge [sflag:s31], $0x3000  }
0x265: {  	[sflag:s31] =	ssyncset.done $0x0  }
0x266: {  	[sflag:s31] =	ssyncadd.s32 $0xFFFFD000  }
0x267: {  	[hbm4b:s11+s2] =	stream.linear.scatter [tilespmem:s18], [sflag:$0x3], $0x3000, $0x38;
	[tilespmem:$0x6100] =	vst v63  }
0x268: {  	_ =	swait.ge [sflag:s17], $0x3000  }
0x269: {  	[sflag:s17] =	ssyncset.done $0x0  }
0x26a: {  	[sflag:s17] =	ssyncadd.s32 $0xFFFFD000  }
0x26b: {  	_ =	swait.ge [sflag:s0], $0x3000  }
0x26c: {  	[sflag:s0] =	ssyncset.done $0x0  }
0x26d: {  	[sflag:s0] =	ssyncadd.s32 $0xFFFFD000  }
0x26e: {  	[hbm4b:s12+s2] =	stream.linear.scatter [tilespmem:s24], [sflag:$0x3], $0x3000, $0x38;
	[tilespmem:$0x6100] =	vst v63  }
0x26f: {  	_ =	swait.ge [sflag:s17], $0x3000  }
0x270: {  	[sflag:s17] =	ssyncset.done $0x0  }
0x271: {  	[sflag:s17] =	ssyncadd.s32 $0xFFFFD000  }
0x272: {  	v3 =	vld [tilespmem:$0x0];
	_ =	sdelay $0x4  }
0x273: {  	v3 =	vadd.s32 $0x580C, v3  }
0x274: {  	v61 =	vshrl.u32 v3, $0x3  }
0x275: {  	v4 =	vmul.u32 $0x30, v61  }
0x276: {  	v62 =	vand.u32 $0x7, v3  }
0x277: {  	v4 =	vor.u32 v62, v4  }
0x278: {  	v5 =	vperm.xlane v4, v0;
	_ =	sdelay $0x1  }
0x279: {  	v5 =	vadd.s32 v1, v5;
	_ =	sdelay $0x3  }
0x27a: {  	[tilespmem:$0x80] =	vst v3;
	v3 =	vperm.xlane v4, v2  }
0x27b: {  	[tilespmem:s18], [sflag:$0x1] =	stream.indirect_vreg.gather [hbm4b:s3+s2], $0x80, v5, vm0, $0xb8;
	[tilespmem:$0x6100] =	vst v63  }
0x27c: {  	v3 =	vadd.s32 v1, v3  }
0x27d: {  	[tilespmem:s19], [sflag:$0x1] =	stream.indirect_vreg.gather [hbm4b:s5+s2], $0x80, v5, vm0, $0xb8;
	[tilespmem:$0x6100] =	vst v63  }
0x27e: {  	_ = 	snop  }
0x27f: {  	[tilespmem:s20], [sflag:$0x1] =	stream.indirect_vreg.gather [hbm4b:s6+s2], $0x80, v5, vm0, $0xb8;
	[tilespmem:$0x6100] =	vst v63  }
0x280: {  	_ = 	snop  }
0x281: {  	[tilespmem:s21], [sflag:$0x1] =	stream.indirect_vreg.gather [hbm4b:s3+s2], $0x80, v3, vm0, $0xb8;
	[tilespmem:$0x6100] =	vst v63  }
0x282: {  	_ = 	snop  }
0x283: {  	[tilespmem:s22], [sflag:$0x1] =	stream.indirect_vreg.gather [hbm4b:s5+s2], $0x80, v3, vm0, $0xb8;
	[tilespmem:$0x6100] =	vst v63  }
0x284: {  	_ = 	snop  }
0x285: {  	[tilespmem:s23], [sflag:$0x1] =	stream.indirect_vreg.gather [hbm4b:s6+s2], $0x80, v3, vm0, $0xb8;
	[tilespmem:$0x6100] =	vst v63  }
0x286: {  	v3 =	vld [tilespmem:$0x80];
	_ =	sdelay $0x4  }
0x287: {  	v63 =	vshrl.u32 v3, $0x3  }
0x288: {  	v4 =	vmul.u32 $0x30, v63  }
0x289: {  	v3 =	vand.u32 $0x7, v3  }
0x28a: {  	v3 =	vor.u32 v3, v4  }
0x28b: {  	v4 =	vperm.xlane v3, v0;
	_ =	sdelay $0x1  }
0x28c: {  	v4 =	vadd.s32 v1, v4;
	_ =	sdelay $0x3  }
0x28d: {  	v3 =	vperm.xlane v3, v2  }
0x28e: {  	[tilespmem:s24], [sflag:$0x2] =	stream.indirect_vreg.gather [hbm4b:s4+s2], $0x80, v4, vm0, $0xb8;
	[tilespmem:$0x6100] =	vst v63  }
0x28f: {  	v3 =	vadd.s32 v1, v3  }
0x290: {  	[tilespmem:s25], [sflag:$0x2] =	stream.indirect_vreg.gather [hbm4b:s7+s2], $0x80, v4, vm0, $0xb8;
	[tilespmem:$0x6100] =	vst v63  }
0x291: {  	_ = 	snop  }
0x292: {  	[tilespmem:s26], [sflag:$0x2] =	stream.indirect_vreg.gather [hbm4b:s8+s2], $0x80, v4, vm0, $0xb8;
	[tilespmem:$0x6100] =	vst v63  }
0x293: {  	_ = 	snop  }
0x294: {  	[tilespmem:s28], [sflag:$0x2] =	stream.indirect_vreg.gather [hbm4b:s4+s2], $0x80, v3, vm0, $0xb8;
	[tilespmem:$0x6100] =	vst v63  }
0x295: {  	_ = 	snop  }
0x296: {  	[tilespmem:s29], [sflag:$0x2] =	stream.indirect_vreg.gather [hbm4b:s7+s2], $0x80, v3, vm0, $0xb8;
	[tilespmem:$0x6100] =	vst v63  }
0x297: {  	_ = 	snop  }
0x298: {  	[tilespmem:s30], [sflag:$0x2] =	stream.indirect_vreg.gather [hbm4b:s8+s2], $0x80, v3, vm0, $0xb8;
	[tilespmem:$0x6100] =	vst v63  }
0x299: {  	_ =	swait.ge [sflag:s31], $0x3000  }
0x29a: {  	[sflag:s31] =	ssyncset.done $0x0  }
0x29b: {  	[sflag:s31] =	ssyncadd.s32 $0xFFFFD000  }
0x29c: {  	[hbm4b:s13+s2] =	stream.linear.scatter [tilespmem:s18], [sflag:$0x3], $0x3000, $0x38;
	[tilespmem:$0x6100] =	vst v63  }
0x29d: {  	_ =	swait.ge [sflag:s17], $0x3000  }
0x29e: {  	[sflag:s17] =	ssyncset.done $0x0  }
0x29f: {  	[sflag:s17] =	ssyncadd.s32 $0xFFFFD000  }
0x2a0: {  	_ =	swait.ge [sflag:s0], $0x3000  }
0x2a1: {  	p0 =	sne.s32 s16, $0x1;
	[sflag:s0] =	ssyncset.done $0x0  }
.Ltmp1:
0x2a2: {  	[sflag:s0] =	ssyncadd.s32 $0xFFFFD000;
	(pc) =	sbr.rel @p0 .LBB2_2-.Ltmp1, $4  }
0x2a3: {  	[hbm4b:s14+s2] =	stream.linear.scatter [tilespmem:s24], [sflag:$0x3], $0x3000, $0x38;
	[tilespmem:$0x6100] =	vst v63  }
0x2a4: {  	_ =	swait.ge [sflag:s17], $0x3000  }
0x2a5: {  	[sflag:s17] =	ssyncset.done $0x0  }
0x2a6: {  	s16 =	sadd.s32 $0xFFFFFFFF, s16;
	[sflag:s17] =	ssyncadd.s32 $0xFFFFD000  }
.LBB2_3:
0x2a7: {  	_ =	sfence.sel $0x180000  }
0x2a8: {  	[bflag:$0x0] =	sbarrier.arrive $0xFFFF  }
0x2a9: {  	_ =	strace $0x90000047  }
0x2aa: {  	s0 =	stileid.u32;
	[bflag:$0x2] =	sbarrier.arrive $0xFFFF  }
0x2ab: {  	p0 =	sne.s32 s0, $0x0;
	s0 =	rddreg [dreg:$0x2]  }
0x2ac: {  	s0 =	sadd.s32 @!p0 $0x100000, s0  }
0x2ad: {  	[sflag:s0] =	ssyncadd.tile.s32 @!p0 $0x1;
	_ =	shalt  }
.Lfunc_end2:
_tile_overlayer_lowered:
.L_overlay_start_2:
0x2ae: {  	(tag) =	ssettag $0x2  }
0x2af: {  	s0 =	rddreg [dreg:$0x0];
	s2 =	stileid.u32  }
0x2b0: {  	s1 =	rddreg [dreg:$0x1];
	p0 =	sne.s32 s2, $0x0  }
0x2b1: {  	s3 =	rddreg [dreg:$0x2];
	[bflag:$0x3] =	sbarrier.arrive $0xFFFF;
	s2 =	simm.s32 @!p0 $0x1C03  }
0x2b2: {  	[timem:s3], [sflag:s2] =	dma.local @!p0 [hbm:s0], s1  }
0x2b3: {  	s0 =	simm.s32 @!p0 $0x3  }
0x2b4: {  	_ =	swait.ge @!p0 [sflag:s0], s1  }
0x2b5: {  	s1 =	ssub.s32 @!p0 $0x0, s1;
	[sflag:s0] =	ssyncset.done @!p0 $0x0  }
0x2b6: {  	[sflag:s0] =	ssyncadd.s32 @!p0 s1  }
0x2b7: {  	[bflag:$0x3] =	sbarrier.arrive $0xFFFF  }
0x2b8: {  	_ =	shalt  }

</sc_bundles>
